<compile_context>
chip_gen: v7x
topology: tpu7x:2x2x1
jax: 0.10.2.dev20260603
libtpu: 0.0.44.dev20260713+nightly
codegen_flags: <defaults>
</compile_context>

<pallas_src>
import functools

import jax
import jax.numpy as jnp
from jax import lax
from jax.experimental import pallas as pl
from jax.experimental.pallas import tpu as pltpu
from jax.experimental.pallas import tpu_sc as plsc

N_OBJECTS = 100000
NUM_VERTICES = 12
INPUT_DIM = 64
OUTPUT_DIM = 64
BATCH = 16384
ROW = NUM_VERTICES * INPUT_DIM

NC = 2
NS = 16
NW = NC * NS
PW_PER = ROW // NW
PB_PER = OUTPUT_DIM // NW
NPLANES = PW_PER + PB_PER
GSEG = 4096
GROUPS = GSEG // 16
UNROLL = 8
HSPLIT = 50048
HI_SZ = N_OBJECTS - HSPLIT

_mesh = plsc.VectorSubcoreMesh(core_axis_name="c", subcore_axis_name="s")


def _pass(idx_v, half, buf, q, lo):
    zeros = jnp.zeros((16,), jnp.int32)
    iota = lax.iota(jnp.int32, 16)

    @plsc.parallel_loop(0, GROUPS, unroll=UNROLL)
    def grp(g):
        off = g * 16
        ivec = idx_v[pl.ds(q * GSEG + off, 16)]
        if lo:
            m = ivec < HSPLIT
            isel = jnp.where(m, ivec, 0)
        else:
            m = ivec >= HSPLIT
            isel = jnp.where(m, ivec - HSPLIT, 0)
        vals = plsc.load_gather(half, [zeros, isel], mask=m)
        plsc.store_scatter(buf, [zeros, iota + off], vals, mask=m)


@functools.partial(
    pl.kernel,
    out_type=(
        jax.ShapeDtypeStruct((ROW, BATCH), jnp.float32),
        jax.ShapeDtypeStruct((OUTPUT_DIM, BATCH), jnp.float32),
    ),
    mesh=_mesh,
    compiler_params=pltpu.CompilerParams(needs_layout_passes=False),
    scratch_types=[
        pltpu.VMEM((BATCH,), jnp.int32),
        pltpu.VMEM((1, HSPLIT), jnp.float32),
        pltpu.VMEM((1, HI_SZ), jnp.float32),
        pltpu.VMEM((1, GSEG), jnp.float32),
        pltpu.VMEM((1, GSEG), jnp.float32),
        pltpu.SemaphoreType.DMA,
        pltpu.SemaphoreType.DMA,
        pltpu.SemaphoreType.DMA,
        pltpu.SemaphoreType.DMA,
    ],
)
def _gather_sc(w_hbm, b_hbm, idx_hbm, w_out, b_out,
               idx_v, lobuf, hibuf, outb0, outb1, sl, sh, os0, os1):
    wid = lax.axis_index("s") * NC + lax.axis_index("c")
    pltpu.sync_copy(idx_hbm, idx_v)
    bufs = (outb0, outb1)

    def stage(j, part, sem):
        lo_sl = pl.ds(0, HSPLIT)
        hi_sl = pl.ds(HSPLIT, HI_SZ)
        sl_ = lo_sl if part == 0 else hi_sl
        dbuf = lobuf if part == 0 else hibuf

        @pl.when(j < PW_PER)
        def _():
            p = wid * PW_PER + j
            pltpu.async_copy(w_hbm.at[pl.ds(p, 1)].at[:, sl_], dbuf, sem)

        @pl.when(jnp.logical_and(j >= PW_PER, j < NPLANES))
        def _():
            p = wid * PB_PER + (j - PW_PER)
            pltpu.async_copy(b_hbm.at[pl.ds(p, 1)].at[:, sl_], dbuf, sem)

    osems = (os0, os1)

    def out_dma(j, q, buf, sem):
        @pl.when(j < PW_PER)
        def _():
            p = wid * PW_PER + j
            pltpu.async_copy(buf, w_out.at[pl.ds(p, 1)].at[:, pl.ds(q * GSEG, GSEG)], sem)

        @pl.when(j >= PW_PER)
        def _():
            p = wid * PB_PER + (j - PW_PER)
            pltpu.async_copy(buf, b_out.at[pl.ds(p, 1)].at[:, pl.ds(q * GSEG, GSEG)], sem)

    def wait_out(sem):
        pltpu.make_async_copy(
            outb0, w_out.at[pl.ds(0, 1)].at[:, pl.ds(0, GSEG)], sem).wait()

    stage(0, 0, sl)
    stage(0, 1, sh)

    def plane(j, carry):
        pltpu.make_async_copy(
            w_hbm.at[pl.ds(0, 1)].at[:, pl.ds(0, HSPLIT)], lobuf, sl).wait()
        for half in range(2):
            qa = 2 * half
            for t in range(2):
                q = qa + t

                @pl.when(jnp.logical_or(j > 0, q >= 2))
                def _():
                    wait_out(osems[t])

                _pass(idx_v, lobuf, bufs[t], q, lo=True)
            if half == 0:
                pltpu.make_async_copy(
                    w_hbm.at[pl.ds(0, 1)].at[:, pl.ds(HSPLIT, HI_SZ)],
                    hibuf, sh).wait()
            for t in range(2):
                q = qa + t
                _pass(idx_v, hibuf, bufs[t], q, lo=False)
                out_dma(j, q, bufs[t], osems[t])
            if half == 1:
                stage(j + 1, 0, sl)
        stage(j + 1, 1, sh)
        return carry

    lax.fori_loop(0, NPLANES, plane, 0)
    for t in range(2):
        wait_out(osems[t])


def kernel(weight, bias, obj_ids):
    w2 = weight.transpose(1, 2, 0).reshape(ROW, N_OBJECTS)
    b2 = bias.transpose(1, 0)
    w_t, b_t = _gather_sc(w2, b2, obj_ids.astype(jnp.int32))
    w_sel = w_t.reshape(NUM_VERTICES, INPUT_DIM, BATCH).transpose(2, 0, 1)
    b_sel = b_t.transpose(1, 0)
    return w_sel, b_sel

# --- scband reference (transcript-rebuilt; emitter-appended) ---
"""Pipeline reference for scband-feature-sphere-library-14422500180037 (READ-ONLY COPY).

The authoritative reference and input builder live on the scoring server;
editing this copy changes nothing except your own understanding.
"""

import jax, jax.numpy as jnp
import numpy as np

N_OBJECTS = 100000
NUM_VERTICES = 12
INPUT_DIM = 64
OUTPUT_DIM = 64
BATCH = 16384


def _xavier_uniform(key, shape):
    # torch xavier_uniform_: fan_in = prod(shape[1:]), fan_out = shape[0] * prod(shape[2:]) for >2D;
    # for 2D: fan_in = shape[1], fan_out = shape[0]
    if len(shape) == 2:
        fan_in, fan_out = shape[1], shape[0]
    else:
        receptive = int(np.prod(shape[2:]))
        fan_in = shape[1] * receptive
        fan_out = shape[0] * receptive
    bound = float(np.sqrt(6.0 / (fan_in + fan_out)))
    return jax.random.uniform(key, shape, dtype=jnp.float32, minval=-bound, maxval=bound)


def setup_inputs(seed: int = 0) -> dict:
    key = jax.random.key(seed)
    k_w, k_b, k_idx = jax.random.split(key, 3)
    weight = _xavier_uniform(k_w, (N_OBJECTS, NUM_VERTICES, INPUT_DIM))
    bias = _xavier_uniform(k_b, (N_OBJECTS, OUTPUT_DIM))
    obj_ids = jax.random.randint(k_idx, (BATCH,), 0, N_OBJECTS, dtype=jnp.int64 if jax.config.jax_enable_x64 else jnp.int32)
    return {"weight": weight, "bias": bias, "obj_ids": obj_ids}


def reference(weight, bias, obj_ids):
    # torch.index_select(self.weight, 0, obj_ids.squeeze()) -> gather rows
    ids = jnp.squeeze(obj_ids)
    w_sel = jnp.take(weight, ids, axis=0)   # [B, num_vertices, input_dim]
    b_sel = jnp.take(bias, ids, axis=0)     # [B, output_dim]
    return (w_sel, b_sel)

if __name__ == "__main__":
    import jax
    _d = setup_inputs()
    print(jax.jit(kernel)(*tuple(_d.values())))

</pallas_src>

<mosaic_0001>
#map = affine_map<(d0, d1) -> (0, 0)>
#map1 = affine_map<(d0, d1) -> (0)>
module attributes {stable_mosaic.version = 14 : i64} {
  func.func @_gather_sc(%arg0: i32, %arg1: i32, %arg2: memref<768x100000xf32, #tpu.memory_space<hbm>>, %arg3: memref<64x100000xf32, #tpu.memory_space<hbm>>, %arg4: memref<16384xi32, #tpu.memory_space<hbm>>, %arg5: memref<768x16384xf32, #tpu.memory_space<hbm>>, %arg6: memref<64x16384xf32, #tpu.memory_space<hbm>>, %arg7: memref<16384xi32, #tpu.memory_space<vmem>>, %arg8: memref<1x50048xf32, #tpu.memory_space<vmem>>, %arg9: memref<1x49952xf32, #tpu.memory_space<vmem>>, %arg10: memref<1x4096xf32, #tpu.memory_space<vmem>>, %arg11: memref<1x4096xf32, #tpu.memory_space<vmem>>, %arg12: memref<!tpu.dma_semaphore, #tpu.memory_space<semaphore_mem>>, %arg13: memref<!tpu.dma_semaphore, #tpu.memory_space<semaphore_mem>>, %arg14: memref<!tpu.dma_semaphore, #tpu.memory_space<semaphore_mem>>, %arg15: memref<!tpu.dma_semaphore, #tpu.memory_space<semaphore_mem>>) attributes {dimension_semantics = [#tpu.dimension_semantics<core_parallel>, #tpu.dimension_semantics<subcore_parallel>], iteration_bounds = array<i64: 2, 16>, scalar_prefetch = 0 : i64, scratch_operands = 9 : i64, tpu.core_type = #tpu.core_type<sc_vector_subcore>, window_params = [{transform_indices = #map}, {transform_indices = #map}, {transform_indices = #map1}, {transform_indices = #map}, {transform_indices = #map}]} {
    %mul3A = arith.constant 2 : i32
    %mul3A_0 = arith.muli %arg1, %mul3A : i32
    %add3A = arith.addi %mul3A_0, %arg0 : i32
    "tpu.region"() ({
      %run_scoped3A = tpu.sem_alloc : memref<!tpu.dma_semaphore, #tpu.memory_space<semaphore_mem>>
      tpu.enqueue_dma source(%arg4 : memref<16384xi32, #tpu.memory_space<hbm>>) target(%arg7 : memref<16384xi32, #tpu.memory_space<vmem>>) target_semaphore(%run_scoped3A : memref<!tpu.dma_semaphore, #tpu.memory_space<semaphore_mem>>)
      tpu.wait_dma2 semaphore(%run_scoped3A : memref<!tpu.dma_semaphore, #tpu.memory_space<semaphore_mem>>) src(%arg4 : memref<16384xi32, #tpu.memory_space<hbm>>) dst(%arg7 : memref<16384xi32, #tpu.memory_space<vmem>>)
      tpu.yield
    }) : () -> ()
    %mul3A_1 = arith.constant 24 : i32
    %mul3A_2 = arith.muli %add3A, %mul3A_1 : i32
    %add3A_3 = arith.constant 0 : i32
    %add3A_4 = arith.addi %mul3A_2, %add3A_3 : i32
    %dma_start3A = arith.constant 0 : i32
    %dma_start3A_5 = tpu.memref_slice %arg2[%add3A_4, %dma_start3A] : memref<768x100000xf32, #tpu.memory_space<hbm>> -> memref<1x100000xf32, #tpu.memory_space<hbm>>
    %dma_start3A_6 = arith.constant 0 : i32
    %dma_start3A_7 = arith.constant 0 : i32
    %dma_start3A_8 = tpu.memref_slice %dma_start3A_5[%dma_start3A_6, %dma_start3A_7] : memref<1x100000xf32, #tpu.memory_space<hbm>> -> memref<1x50048xf32, #tpu.memory_space<hbm>>
    %dma_start3A_9 = arith.constant 0 : i32
    %dma_start3A_10 = tpu.memref_slice %arg2[%add3A_4, %dma_start3A_9] : memref<768x100000xf32, #tpu.memory_space<hbm>> -> memref<1x100000xf32, #tpu.memory_space<hbm>>
    %dma_start3A_11 = arith.constant 0 : i32
    %dma_start3A_12 = arith.constant 0 : i32
    %dma_start3A_13 = tpu.memref_slice %dma_start3A_10[%dma_start3A_11, %dma_start3A_12] : memref<1x100000xf32, #tpu.memory_space<hbm>> -> memref<1x50048xf32, #tpu.memory_space<hbm>>
    tpu.enqueue_dma source(%dma_start3A_13 : memref<1x50048xf32, #tpu.memory_space<hbm>>) target(%arg8 : memref<1x50048xf32, #tpu.memory_space<vmem>>) target_semaphore(%arg12 : memref<!tpu.dma_semaphore, #tpu.memory_space<semaphore_mem>>)
    %and3A = arith.constant false
    %and3A_14 = arith.constant true
    %and3A_15 = arith.andi %and3A, %and3A_14 : i1
    %convert_element_type3A = arith.extui %and3A_15 : i1 to i32
    %cond3A = arith.constant 0 : i32
    %cond3A_16 = arith.cmpi ne, %convert_element_type3A, %cond3A : i32
    scf.if %cond3A_16 {
      %mul3A_65 = arith.constant 2 : i32
      %mul3A_66 = arith.muli %add3A, %mul3A_65 : i32
      %add3A_67 = arith.constant -24 : i32
      %add3A_68 = arith.addi %mul3A_66, %add3A_67 : i32
      %dma_start3A_69 = arith.constant 0 : i32
      %dma_start3A_70 = tpu.memref_slice %arg3[%add3A_68, %dma_start3A_69] : memref<64x100000xf32, #tpu.memory_space<hbm>> -> memref<1x100000xf32, #tpu.memory_space<hbm>>
      %dma_start3A_71 = arith.constant 0 : i32
      %dma_start3A_72 = arith.constant 0 : i32
      %dma_start3A_73 = tpu.memref_slice %dma_start3A_70[%dma_start3A_71, %dma_start3A_72] : memref<1x100000xf32, #tpu.memory_space<hbm>> -> memref<1x50048xf32, #tpu.memory_space<hbm>>
      %dma_start3A_74 = arith.constant 0 : i32
      %dma_start3A_75 = tpu.memref_slice %arg3[%add3A_68, %dma_start3A_74] : memref<64x100000xf32, #tpu.memory_space<hbm>> -> memref<1x100000xf32, #tpu.memory_space<hbm>>
      %dma_start3A_76 = arith.constant 0 : i32
      %dma_start3A_77 = arith.constant 0 : i32
      %dma_start3A_78 = tpu.memref_slice %dma_start3A_75[%dma_start3A_76, %dma_start3A_77] : memref<1x100000xf32, #tpu.memory_space<hbm>> -> memref<1x50048xf32, #tpu.memory_space<hbm>>
      tpu.enqueue_dma source(%dma_start3A_78 : memref<1x50048xf32, #tpu.memory_space<hbm>>) target(%arg8 : memref<1x50048xf32, #tpu.memory_space<vmem>>) target_semaphore(%arg12 : memref<!tpu.dma_semaphore, #tpu.memory_space<semaphore_mem>>)
    } else {
    }
    %mul3A_17 = arith.constant 24 : i32
    %mul3A_18 = arith.muli %add3A, %mul3A_17 : i32
    %add3A_19 = arith.constant 0 : i32
    %add3A_20 = arith.addi %mul3A_18, %add3A_19 : i32
    %dma_start3A_21 = arith.constant 0 : i32
    %dma_start3A_22 = tpu.memref_slice %arg2[%add3A_20, %dma_start3A_21] : memref<768x100000xf32, #tpu.memory_space<hbm>> -> memref<1x100000xf32, #tpu.memory_space<hbm>>
    %dma_start3A_23 = arith.constant 0 : i32
    %dma_start3A_24 = arith.constant 50048 : i32
    %dma_start3A_25 = tpu.memref_slice %dma_start3A_22[%dma_start3A_23, %dma_start3A_24] : memref<1x100000xf32, #tpu.memory_space<hbm>> -> memref<1x49952xf32, #tpu.memory_space<hbm>>
    %dma_start3A_26 = arith.constant 0 : i32
    %dma_start3A_27 = tpu.memref_slice %arg2[%add3A_20, %dma_start3A_26] : memref<768x100000xf32, #tpu.memory_space<hbm>> -> memref<1x100000xf32, #tpu.memory_space<hbm>>
    %dma_start3A_28 = arith.constant 0 : i32
    %dma_start3A_29 = arith.constant 50048 : i32
    %dma_start3A_30 = tpu.memref_slice %dma_start3A_27[%dma_start3A_28, %dma_start3A_29] : memref<1x100000xf32, #tpu.memory_space<hbm>> -> memref<1x49952xf32, #tpu.memory_space<hbm>>
    tpu.enqueue_dma source(%dma_start3A_30 : memref<1x49952xf32, #tpu.memory_space<hbm>>) target(%arg9 : memref<1x49952xf32, #tpu.memory_space<vmem>>) target_semaphore(%arg13 : memref<!tpu.dma_semaphore, #tpu.memory_space<semaphore_mem>>)
    %and3A_31 = arith.constant false
    %and3A_32 = arith.constant true
    %and3A_33 = arith.andi %and3A_31, %and3A_32 : i1
    %convert_element_type3A_34 = arith.extui %and3A_33 : i1 to i32
    %cond3A_35 = arith.constant 0 : i32
    %cond3A_36 = arith.cmpi ne, %convert_element_type3A_34, %cond3A_35 : i32
    scf.if %cond3A_36 {
      %mul3A_65 = arith.constant 2 : i32
      %mul3A_66 = arith.muli %add3A, %mul3A_65 : i32
      %add3A_67 = arith.constant -24 : i32
      %add3A_68 = arith.addi %mul3A_66, %add3A_67 : i32
      %dma_start3A_69 = arith.constant 0 : i32
      %dma_start3A_70 = tpu.memref_slice %arg3[%add3A_68, %dma_start3A_69] : memref<64x100000xf32, #tpu.memory_space<hbm>> -> memref<1x100000xf32, #tpu.memory_space<hbm>>
      %dma_start3A_71 = arith.constant 0 : i32
      %dma_start3A_72 = arith.constant 50048 : i32
      %dma_start3A_73 = tpu.memref_slice %dma_start3A_70[%dma_start3A_71, %dma_start3A_72] : memref<1x100000xf32, #tpu.memory_space<hbm>> -> memref<1x49952xf32, #tpu.memory_space<hbm>>
      %dma_start3A_74 = arith.constant 0 : i32
      %dma_start3A_75 = tpu.memref_slice %arg3[%add3A_68, %dma_start3A_74] : memref<64x100000xf32, #tpu.memory_space<hbm>> -> memref<1x100000xf32, #tpu.memory_space<hbm>>
      %dma_start3A_76 = arith.constant 0 : i32
      %dma_start3A_77 = arith.constant 50048 : i32
      %dma_start3A_78 = tpu.memref_slice %dma_start3A_75[%dma_start3A_76, %dma_start3A_77] : memref<1x100000xf32, #tpu.memory_space<hbm>> -> memref<1x49952xf32, #tpu.memory_space<hbm>>
      tpu.enqueue_dma source(%dma_start3A_78 : memref<1x49952xf32, #tpu.memory_space<hbm>>) target(%arg9 : memref<1x49952xf32, #tpu.memory_space<vmem>>) target_semaphore(%arg13 : memref<!tpu.dma_semaphore, #tpu.memory_space<semaphore_mem>>)
    } else {
    }
    %scan3A = arith.constant 0 : i32
    %scan3A_37 = arith.constant 0 : i32
    %scan3A_38 = arith.constant 26 : i32
    %scan3A_39 = arith.addi %scan3A_37, %scan3A_38 : i32
    %scan3A_40 = arith.constant 1 : i32
    scf.for %scan3A_65 = %scan3A_37 to %scan3A_39 step %scan3A_40  : i32 {
      %dma_wait3A_66 = arith.constant 0 : i32
      %dma_wait3A_67 = arith.constant 0 : i32
      %dma_wait3A_68 = tpu.memref_slice %arg2[%dma_wait3A_66, %dma_wait3A_67] : memref<768x100000xf32, #tpu.memory_space<hbm>> -> memref<1x100000xf32, #tpu.memory_space<hbm>>
      %dma_wait3A_69 = arith.constant 0 : i32
      %dma_wait3A_70 = arith.constant 0 : i32
      %dma_wait3A_71 = tpu.memref_slice %dma_wait3A_68[%dma_wait3A_69, %dma_wait3A_70] : memref<1x100000xf32, #tpu.memory_space<hbm>> -> memref<1x50048xf32, #tpu.memory_space<hbm>>
      %dma_wait3A_72 = arith.constant 0 : i32
      %dma_wait3A_73 = arith.constant 0 : i32
      %dma_wait3A_74 = tpu.memref_slice %arg2[%dma_wait3A_72, %dma_wait3A_73] : memref<768x100000xf32, #tpu.memory_space<hbm>> -> memref<1x100000xf32, #tpu.memory_space<hbm>>
      %dma_wait3A_75 = arith.constant 0 : i32
      %dma_wait3A_76 = arith.constant 0 : i32
      %dma_wait3A_77 = tpu.memref_slice %dma_wait3A_74[%dma_wait3A_75, %dma_wait3A_76] : memref<1x100000xf32, #tpu.memory_space<hbm>> -> memref<1x50048xf32, #tpu.memory_space<hbm>>
      tpu.wait_dma2 semaphore(%arg12 : memref<!tpu.dma_semaphore, #tpu.memory_space<semaphore_mem>>) src(%dma_wait3A_77 : memref<1x50048xf32, #tpu.memory_space<hbm>>) dst(%arg8 : memref<1x50048xf32, #tpu.memory_space<vmem>>)
      %gt3A = arith.constant 0 : i32
      %gt3A_78 = arith.cmpi sgt, %scan3A_65, %gt3A : i32
      %or3A = arith.constant false
      %or3A_79 = arith.ori %gt3A_78, %or3A : i1
      %convert_element_type3A_80 = arith.extui %or3A_79 : i1 to i32
      %cond3A_81 = arith.constant 0 : i32
      %cond3A_82 = arith.cmpi ne, %convert_element_type3A_80, %cond3A_81 : i32
      scf.if %cond3A_82 {
        %dma_wait3A_229 = arith.constant 0 : i32
        %dma_wait3A_230 = arith.constant 0 : i32
        %dma_wait3A_231 = tpu.memref_slice %arg5[%dma_wait3A_229, %dma_wait3A_230] : memref<768x16384xf32, #tpu.memory_space<hbm>> -> memref<1x16384xf32, #tpu.memory_space<hbm>>
        %dma_wait3A_232 = arith.constant 0 : i32
        %dma_wait3A_233 = arith.constant 0 : i32
        %dma_wait3A_234 = tpu.memref_slice %dma_wait3A_231[%dma_wait3A_232, %dma_wait3A_233] : memref<1x16384xf32, #tpu.memory_space<hbm>> -> memref<1x4096xf32, #tpu.memory_space<hbm>>
        %dma_wait3A_235 = arith.constant 0 : i32
        %dma_wait3A_236 = arith.constant 0 : i32
        %dma_wait3A_237 = tpu.memref_slice %arg5[%dma_wait3A_235, %dma_wait3A_236] : memref<768x16384xf32, #tpu.memory_space<hbm>> -> memref<1x16384xf32, #tpu.memory_space<hbm>>
        %dma_wait3A_238 = arith.constant 0 : i32
        %dma_wait3A_239 = arith.constant 0 : i32
        %dma_wait3A_240 = tpu.memref_slice %dma_wait3A_237[%dma_wait3A_238, %dma_wait3A_239] : memref<1x16384xf32, #tpu.memory_space<hbm>> -> memref<1x4096xf32, #tpu.memory_space<hbm>>
        tpu.wait_dma2 semaphore(%arg14 : memref<!tpu.dma_semaphore, #tpu.memory_space<semaphore_mem>>) src(%arg10 : memref<1x4096xf32, #tpu.memory_space<vmem>>) dst(%dma_wait3A_240 : memref<1x4096xf32, #tpu.memory_space<hbm>>)
      } else {
      }
      %broadcast_in_dim3A = arith.constant 0 : i32
      %broadcast_in_dim3A_83 = vector.broadcast %broadcast_in_dim3A : i32 to vector<16xi32>
      %iota3A = tpu.iota {dimensions = array<i32: 0>} : vector<16xi32>
      %parallel_loop3A = arith.constant 0 : i32
      %parallel_loop3A_84 = arith.constant 256 : i32
      %parallel_loop3A_85 = arith.constant 1 : i32
      scf.for %parallel_loop3A_229 = %parallel_loop3A to %parallel_loop3A_84 step %parallel_loop3A_85  : i32 {
        %parallel_loop3A_230 = arith.constant 16 : i32
        %parallel_loop3A_231 = arith.muli %parallel_loop3A_229, %parallel_loop3A_230 : i32
        %parallel_loop3A_232 = arith.constant 0 : i32
        %parallel_loop3A_233 = arith.addi %parallel_loop3A_232, %parallel_loop3A_231 : i32
        %parallel_loop3A_234 = arith.index_cast %parallel_loop3A_233 : i32 to index
        %parallel_loop3A_235 = tpu.vector_load %arg7[%parallel_loop3A_234] {strides = array<i32>} : memref<16384xi32, #tpu.memory_space<vmem>>, vector<16xi32>,
        %parallel_loop3A_236 = arith.constant 50048 : i32
        %parallel_loop3A_237 = vector.broadcast %parallel_loop3A_236 : i32 to vector<16xi32>
        %parallel_loop3A_238 = arith.cmpi slt, %parallel_loop3A_235, %parallel_loop3A_237 : vector<16xi32>
        %parallel_loop3A_239 = arith.constant 0 : i32
        %parallel_loop3A_240 = vector.broadcast %parallel_loop3A_239 : i32 to vector<16xi32>
        %parallel_loop3A_241 = arith.select %parallel_loop3A_238, %parallel_loop3A_235, %parallel_loop3A_240 : vector<16xi1>, vector<16xi32>
        %parallel_loop3A_242 = tpu.vector_load_idx %arg8[%broadcast_in_dim3A_83, %parallel_loop3A_241] masked %parallel_loop3A_238 : memref<1x50048xf32, #tpu.memory_space<vmem>>[vector<16xi32>, vector<16xi32>], vector<16xf32>, vector<16xi1>
        %parallel_loop3A_243 = vector.broadcast %parallel_loop3A_231 : i32 to vector<16xi32>
        %parallel_loop3A_244 = arith.addi %iota3A, %parallel_loop3A_243 : vector<16xi32>
        tpu.vector_store_idx %arg10[%broadcast_in_dim3A_83, %parallel_loop3A_244], %parallel_loop3A_242 masked %parallel_loop3A_238 : memref<1x4096xf32, #tpu.memory_space<vmem>>[vector<16xi32>, vector<16xi32>], vector<16xf32>, vector<16xi1>
      } {sc.loop_unroll_factor = 8 : i64, sc.parallel_access}
      %gt3A_86 = arith.constant 0 : i32
      %gt3A_87 = arith.cmpi sgt, %scan3A_65, %gt3A_86 : i32
      %or3A_88 = arith.constant false
      %or3A_89 = arith.ori %gt3A_87, %or3A_88 : i1
      %convert_element_type3A_90 = arith.extui %or3A_89 : i1 to i32
      %cond3A_91 = arith.constant 0 : i32
      %cond3A_92 = arith.cmpi ne, %convert_element_type3A_90, %cond3A_91 : i32
      scf.if %cond3A_92 {
        %dma_wait3A_229 = arith.constant 0 : i32
        %dma_wait3A_230 = arith.constant 0 : i32
        %dma_wait3A_231 = tpu.memref_slice %arg5[%dma_wait3A_229, %dma_wait3A_230] : memref<768x16384xf32, #tpu.memory_space<hbm>> -> memref<1x16384xf32, #tpu.memory_space<hbm>>
        %dma_wait3A_232 = arith.constant 0 : i32
        %dma_wait3A_233 = arith.constant 0 : i32
        %dma_wait3A_234 = tpu.memref_slice %dma_wait3A_231[%dma_wait3A_232, %dma_wait3A_233] : memref<1x16384xf32, #tpu.memory_space<hbm>> -> memref<1x4096xf32, #tpu.memory_space<hbm>>
        %dma_wait3A_235 = arith.constant 0 : i32
        %dma_wait3A_236 = arith.constant 0 : i32
        %dma_wait3A_237 = tpu.memref_slice %arg5[%dma_wait3A_235, %dma_wait3A_236] : memref<768x16384xf32, #tpu.memory_space<hbm>> -> memref<1x16384xf32, #tpu.memory_space<hbm>>
        %dma_wait3A_238 = arith.constant 0 : i32
        %dma_wait3A_239 = arith.constant 0 : i32
        %dma_wait3A_240 = tpu.memref_slice %dma_wait3A_237[%dma_wait3A_238, %dma_wait3A_239] : memref<1x16384xf32, #tpu.memory_space<hbm>> -> memref<1x4096xf32, #tpu.memory_space<hbm>>
        tpu.wait_dma2 semaphore(%arg15 : memref<!tpu.dma_semaphore, #tpu.memory_space<semaphore_mem>>) src(%arg10 : memref<1x4096xf32, #tpu.memory_space<vmem>>) dst(%dma_wait3A_240 : memref<1x4096xf32, #tpu.memory_space<hbm>>)
      } else {
      }
      %broadcast_in_dim3A_93 = arith.constant 0 : i32
      %broadcast_in_dim3A_94 = vector.broadcast %broadcast_in_dim3A_93 : i32 to vector<16xi32>
      %iota3A_95 = tpu.iota {dimensions = array<i32: 0>} : vector<16xi32>
      %parallel_loop3A_96 = arith.constant 0 : i32
      %parallel_loop3A_97 = arith.constant 256 : i32
      %parallel_loop3A_98 = arith.constant 1 : i32
      scf.for %parallel_loop3A_229 = %parallel_loop3A_96 to %parallel_loop3A_97 step %parallel_loop3A_98  : i32 {
        %parallel_loop3A_230 = arith.constant 16 : i32
        %parallel_loop3A_231 = arith.muli %parallel_loop3A_229, %parallel_loop3A_230 : i32
        %parallel_loop3A_232 = arith.constant 4096 : i32
        %parallel_loop3A_233 = arith.addi %parallel_loop3A_232, %parallel_loop3A_231 : i32
        %parallel_loop3A_234 = arith.index_cast %parallel_loop3A_233 : i32 to index
        %parallel_loop3A_235 = tpu.vector_load %arg7[%parallel_loop3A_234] {strides = array<i32>} : memref<16384xi32, #tpu.memory_space<vmem>>, vector<16xi32>,
        %parallel_loop3A_236 = arith.constant 50048 : i32
        %parallel_loop3A_237 = vector.broadcast %parallel_loop3A_236 : i32 to vector<16xi32>
        %parallel_loop3A_238 = arith.cmpi slt, %parallel_loop3A_235, %parallel_loop3A_237 : vector<16xi32>
        %parallel_loop3A_239 = arith.constant 0 : i32
        %parallel_loop3A_240 = vector.broadcast %parallel_loop3A_239 : i32 to vector<16xi32>
        %parallel_loop3A_241 = arith.select %parallel_loop3A_238, %parallel_loop3A_235, %parallel_loop3A_240 : vector<16xi1>, vector<16xi32>
        %parallel_loop3A_242 = tpu.vector_load_idx %arg8[%broadcast_in_dim3A_94, %parallel_loop3A_241] masked %parallel_loop3A_238 : memref<1x50048xf32, #tpu.memory_space<vmem>>[vector<16xi32>, vector<16xi32>], vector<16xf32>, vector<16xi1>
        %parallel_loop3A_243 = vector.broadcast %parallel_loop3A_231 : i32 to vector<16xi32>
        %parallel_loop3A_244 = arith.addi %iota3A_95, %parallel_loop3A_243 : vector<16xi32>
        tpu.vector_store_idx %arg11[%broadcast_in_dim3A_94, %parallel_loop3A_244], %parallel_loop3A_242 masked %parallel_loop3A_238 : memref<1x4096xf32, #tpu.memory_space<vmem>>[vector<16xi32>, vector<16xi32>], vector<16xf32>, vector<16xi1>
      } {sc.loop_unroll_factor = 8 : i64, sc.parallel_access}
      %dma_wait3A_99 = arith.constant 0 : i32
      %dma_wait3A_100 = arith.constant 0 : i32
      %dma_wait3A_101 = tpu.memref_slice %arg2[%dma_wait3A_99, %dma_wait3A_100] : memref<768x100000xf32, #tpu.memory_space<hbm>> -> memref<1x100000xf32, #tpu.memory_space<hbm>>
      %dma_wait3A_102 = arith.constant 0 : i32
      %dma_wait3A_103 = arith.constant 50048 : i32
      %dma_wait3A_104 = tpu.memref_slice %dma_wait3A_101[%dma_wait3A_102, %dma_wait3A_103] : memref<1x100000xf32, #tpu.memory_space<hbm>> -> memref<1x49952xf32, #tpu.memory_space<hbm>>
      %dma_wait3A_105 = arith.constant 0 : i32
      %dma_wait3A_106 = arith.constant 0 : i32
      %dma_wait3A_107 = tpu.memref_slice %arg2[%dma_wait3A_105, %dma_wait3A_106] : memref<768x100000xf32, #tpu.memory_space<hbm>> -> memref<1x100000xf32, #tpu.memory_space<hbm>>
      %dma_wait3A_108 = arith.constant 0 : i32
      %dma_wait3A_109 = arith.constant 50048 : i32
      %dma_wait3A_110 = tpu.memref_slice %dma_wait3A_107[%dma_wait3A_108, %dma_wait3A_109] : memref<1x100000xf32, #tpu.memory_space<hbm>> -> memref<1x49952xf32, #tpu.memory_space<hbm>>
      tpu.wait_dma2 semaphore(%arg13 : memref<!tpu.dma_semaphore, #tpu.memory_space<semaphore_mem>>) src(%dma_wait3A_110 : memref<1x49952xf32, #tpu.memory_space<hbm>>) dst(%arg9 : memref<1x49952xf32, #tpu.memory_space<vmem>>)
      %broadcast_in_dim3A_111 = arith.constant 0 : i32
      %broadcast_in_dim3A_112 = vector.broadcast %broadcast_in_dim3A_111 : i32 to vector<16xi32>
      %iota3A_113 = tpu.iota {dimensions = array<i32: 0>} : vector<16xi32>
      %parallel_loop3A_114 = arith.constant 0 : i32
      %parallel_loop3A_115 = arith.constant 256 : i32
      %parallel_loop3A_116 = arith.constant 1 : i32
      scf.for %parallel_loop3A_229 = %parallel_loop3A_114 to %parallel_loop3A_115 step %parallel_loop3A_116  : i32 {
        %parallel_loop3A_230 = arith.constant 16 : i32
        %parallel_loop3A_231 = arith.muli %parallel_loop3A_229, %parallel_loop3A_230 : i32
        %parallel_loop3A_232 = arith.constant 0 : i32
        %parallel_loop3A_233 = arith.addi %parallel_loop3A_232, %parallel_loop3A_231 : i32
        %parallel_loop3A_234 = arith.index_cast %parallel_loop3A_233 : i32 to index
        %parallel_loop3A_235 = tpu.vector_load %arg7[%parallel_loop3A_234] {strides = array<i32>} : memref<16384xi32, #tpu.memory_space<vmem>>, vector<16xi32>,
        %parallel_loop3A_236 = arith.constant 50048 : i32
        %parallel_loop3A_237 = vector.broadcast %parallel_loop3A_236 : i32 to vector<16xi32>
        %parallel_loop3A_238 = arith.cmpi sge, %parallel_loop3A_235, %parallel_loop3A_237 : vector<16xi32>
        %parallel_loop3A_239 = arith.constant 50048 : i32
        %parallel_loop3A_240 = vector.broadcast %parallel_loop3A_239 : i32 to vector<16xi32>
        %parallel_loop3A_241 = arith.subi %parallel_loop3A_235, %parallel_loop3A_240 : vector<16xi32>
        %parallel_loop3A_242 = arith.constant 0 : i32
        %parallel_loop3A_243 = vector.broadcast %parallel_loop3A_242 : i32 to vector<16xi32>
        %parallel_loop3A_244 = arith.select %parallel_loop3A_238, %parallel_loop3A_241, %parallel_loop3A_243 : vector<16xi1>, vector<16xi32>
        %parallel_loop3A_245 = tpu.vector_load_idx %arg9[%broadcast_in_dim3A_112, %parallel_loop3A_244] masked %parallel_loop3A_238 : memref<1x49952xf32, #tpu.memory_space<vmem>>[vector<16xi32>, vector<16xi32>], vector<16xf32>, vector<16xi1>
        %parallel_loop3A_246 = vector.broadcast %parallel_loop3A_231 : i32 to vector<16xi32>
        %parallel_loop3A_247 = arith.addi %iota3A_113, %parallel_loop3A_246 : vector<16xi32>
        tpu.vector_store_idx %arg10[%broadcast_in_dim3A_112, %parallel_loop3A_247], %parallel_loop3A_245 masked %parallel_loop3A_238 : memref<1x4096xf32, #tpu.memory_space<vmem>>[vector<16xi32>, vector<16xi32>], vector<16xf32>, vector<16xi1>
      } {sc.loop_unroll_factor = 8 : i64, sc.parallel_access}
      %lt3A = arith.constant 24 : i32
      %lt3A_117 = arith.cmpi slt, %scan3A_65, %lt3A : i32
      %convert_element_type3A_118 = arith.extui %lt3A_117 : i1 to i32
      %cond3A_119 = arith.constant 0 : i32
      %cond3A_120 = arith.cmpi ne, %convert_element_type3A_118, %cond3A_119 : i32
      scf.if %cond3A_120 {
        %mul3A_229 = arith.constant 24 : i32
        %mul3A_230 = arith.muli %add3A, %mul3A_229 : i32
        %add3A_231 = arith.addi %mul3A_230, %scan3A_65 : i32
        %dma_start3A_232 = arith.constant 0 : i32
        %dma_start3A_233 = tpu.memref_slice %arg5[%add3A_231, %dma_start3A_232] : memref<768x16384xf32, #tpu.memory_space<hbm>> -> memref<1x16384xf32, #tpu.memory_space<hbm>>
        %dma_start3A_234 = arith.constant 0 : i32
        %dma_start3A_235 = arith.constant 0 : i32
        %dma_start3A_236 = tpu.memref_slice %dma_start3A_233[%dma_start3A_234, %dma_start3A_235] : memref<1x16384xf32, #tpu.memory_space<hbm>> -> memref<1x4096xf32, #tpu.memory_space<hbm>>
        %dma_start3A_237 = arith.constant 0 : i32
        %dma_start3A_238 = tpu.memref_slice %arg5[%add3A_231, %dma_start3A_237] : memref<768x16384xf32, #tpu.memory_space<hbm>> -> memref<1x16384xf32, #tpu.memory_space<hbm>>
        %dma_start3A_239 = arith.constant 0 : i32
        %dma_start3A_240 = arith.constant 0 : i32
        %dma_start3A_241 = tpu.memref_slice %dma_start3A_238[%dma_start3A_239, %dma_start3A_240] : memref<1x16384xf32, #tpu.memory_space<hbm>> -> memref<1x4096xf32, #tpu.memory_space<hbm>>
        tpu.enqueue_dma source(%arg10 : memref<1x4096xf32, #tpu.memory_space<vmem>>) target(%dma_start3A_241 : memref<1x4096xf32, #tpu.memory_space<hbm>>) target_semaphore(%arg14 : memref<!tpu.dma_semaphore, #tpu.memory_space<semaphore_mem>>)
      } else {
      }
      %ge3A = arith.constant 24 : i32
      %ge3A_121 = arith.cmpi sge, %scan3A_65, %ge3A : i32
      %convert_element_type3A_122 = arith.extui %ge3A_121 : i1 to i32
      %cond3A_123 = arith.constant 0 : i32
      %cond3A_124 = arith.cmpi ne, %convert_element_type3A_122, %cond3A_123 : i32
      scf.if %cond3A_124 {
        %mul3A_229 = arith.constant 2 : i32
        %mul3A_230 = arith.muli %add3A, %mul3A_229 : i32
        %sub3A = arith.constant 24 : i32
        %sub3A_231 = arith.subi %scan3A_65, %sub3A : i32
        %add3A_232 = arith.addi %mul3A_230, %sub3A_231 : i32
        %dma_start3A_233 = arith.constant 0 : i32
        %dma_start3A_234 = tpu.memref_slice %arg6[%add3A_232, %dma_start3A_233] : memref<64x16384xf32, #tpu.memory_space<hbm>> -> memref<1x16384xf32, #tpu.memory_space<hbm>>
        %dma_start3A_235 = arith.constant 0 : i32
        %dma_start3A_236 = arith.constant 0 : i32
        %dma_start3A_237 = tpu.memref_slice %dma_start3A_234[%dma_start3A_235, %dma_start3A_236] : memref<1x16384xf32, #tpu.memory_space<hbm>> -> memref<1x4096xf32, #tpu.memory_space<hbm>>
        %dma_start3A_238 = arith.constant 0 : i32
        %dma_start3A_239 = tpu.memref_slice %arg6[%add3A_232, %dma_start3A_238] : memref<64x16384xf32, #tpu.memory_space<hbm>> -> memref<1x16384xf32, #tpu.memory_space<hbm>>
        %dma_start3A_240 = arith.constant 0 : i32
        %dma_start3A_241 = arith.constant 0 : i32
        %dma_start3A_242 = tpu.memref_slice %dma_start3A_239[%dma_start3A_240, %dma_start3A_241] : memref<1x16384xf32, #tpu.memory_space<hbm>> -> memref<1x4096xf32, #tpu.memory_space<hbm>>
        tpu.enqueue_dma source(%arg10 : memref<1x4096xf32, #tpu.memory_space<vmem>>) target(%dma_start3A_242 : memref<1x4096xf32, #tpu.memory_space<hbm>>) target_semaphore(%arg14 : memref<!tpu.dma_semaphore, #tpu.memory_space<semaphore_mem>>)
      } else {
      }
      %broadcast_in_dim3A_125 = arith.constant 0 : i32
      %broadcast_in_dim3A_126 = vector.broadcast %broadcast_in_dim3A_125 : i32 to vector<16xi32>
      %iota3A_127 = tpu.iota {dimensions = array<i32: 0>} : vector<16xi32>
      %parallel_loop3A_128 = arith.constant 0 : i32
      %parallel_loop3A_129 = arith.constant 256 : i32
      %parallel_loop3A_130 = arith.constant 1 : i32
      scf.for %parallel_loop3A_229 = %parallel_loop3A_128 to %parallel_loop3A_129 step %parallel_loop3A_130  : i32 {
        %parallel_loop3A_230 = arith.constant 16 : i32
        %parallel_loop3A_231 = arith.muli %parallel_loop3A_229, %parallel_loop3A_230 : i32
        %parallel_loop3A_232 = arith.constant 4096 : i32
        %parallel_loop3A_233 = arith.addi %parallel_loop3A_232, %parallel_loop3A_231 : i32
        %parallel_loop3A_234 = arith.index_cast %parallel_loop3A_233 : i32 to index
        %parallel_loop3A_235 = tpu.vector_load %arg7[%parallel_loop3A_234] {strides = array<i32>} : memref<16384xi32, #tpu.memory_space<vmem>>, vector<16xi32>,
        %parallel_loop3A_236 = arith.constant 50048 : i32
        %parallel_loop3A_237 = vector.broadcast %parallel_loop3A_236 : i32 to vector<16xi32>
        %parallel_loop3A_238 = arith.cmpi sge, %parallel_loop3A_235, %parallel_loop3A_237 : vector<16xi32>
        %parallel_loop3A_239 = arith.constant 50048 : i32
        %parallel_loop3A_240 = vector.broadcast %parallel_loop3A_239 : i32 to vector<16xi32>
        %parallel_loop3A_241 = arith.subi %parallel_loop3A_235, %parallel_loop3A_240 : vector<16xi32>
        %parallel_loop3A_242 = arith.constant 0 : i32
        %parallel_loop3A_243 = vector.broadcast %parallel_loop3A_242 : i32 to vector<16xi32>
        %parallel_loop3A_244 = arith.select %parallel_loop3A_238, %parallel_loop3A_241, %parallel_loop3A_243 : vector<16xi1>, vector<16xi32>
        %parallel_loop3A_245 = tpu.vector_load_idx %arg9[%broadcast_in_dim3A_126, %parallel_loop3A_244] masked %parallel_loop3A_238 : memref<1x49952xf32, #tpu.memory_space<vmem>>[vector<16xi32>, vector<16xi32>], vector<16xf32>, vector<16xi1>
        %parallel_loop3A_246 = vector.broadcast %parallel_loop3A_231 : i32 to vector<16xi32>
        %parallel_loop3A_247 = arith.addi %iota3A_127, %parallel_loop3A_246 : vector<16xi32>
        tpu.vector_store_idx %arg11[%broadcast_in_dim3A_126, %parallel_loop3A_247], %parallel_loop3A_245 masked %parallel_loop3A_238 : memref<1x4096xf32, #tpu.memory_space<vmem>>[vector<16xi32>, vector<16xi32>], vector<16xf32>, vector<16xi1>
      } {sc.loop_unroll_factor = 8 : i64, sc.parallel_access}
      %lt3A_131 = arith.constant 24 : i32
      %lt3A_132 = arith.cmpi slt, %scan3A_65, %lt3A_131 : i32
      %convert_element_type3A_133 = arith.extui %lt3A_132 : i1 to i32
      %cond3A_134 = arith.constant 0 : i32
      %cond3A_135 = arith.cmpi ne, %convert_element_type3A_133, %cond3A_134 : i32
      scf.if %cond3A_135 {
        %mul3A_229 = arith.constant 24 : i32
        %mul3A_230 = arith.muli %add3A, %mul3A_229 : i32
        %add3A_231 = arith.addi %mul3A_230, %scan3A_65 : i32
        %dma_start3A_232 = arith.constant 0 : i32
        %dma_start3A_233 = tpu.memref_slice %arg5[%add3A_231, %dma_start3A_232] : memref<768x16384xf32, #tpu.memory_space<hbm>> -> memref<1x16384xf32, #tpu.memory_space<hbm>>
        %dma_start3A_234 = arith.constant 0 : i32
        %dma_start3A_235 = arith.constant 4096 : i32
        %dma_start3A_236 = tpu.memref_slice %dma_start3A_233[%dma_start3A_234, %dma_start3A_235] : memref<1x16384xf32, #tpu.memory_space<hbm>> -> memref<1x4096xf32, #tpu.memory_space<hbm>>
        %dma_start3A_237 = arith.constant 0 : i32
        %dma_start3A_238 = tpu.memref_slice %arg5[%add3A_231, %dma_start3A_237] : memref<768x16384xf32, #tpu.memory_space<hbm>> -> memref<1x16384xf32, #tpu.memory_space<hbm>>
        %dma_start3A_239 = arith.constant 0 : i32
        %dma_start3A_240 = arith.constant 4096 : i32
        %dma_start3A_241 = tpu.memref_slice %dma_start3A_238[%dma_start3A_239, %dma_start3A_240] : memref<1x16384xf32, #tpu.memory_space<hbm>> -> memref<1x4096xf32, #tpu.memory_space<hbm>>
        tpu.enqueue_dma source(%arg11 : memref<1x4096xf32, #tpu.memory_space<vmem>>) target(%dma_start3A_241 : memref<1x4096xf32, #tpu.memory_space<hbm>>) target_semaphore(%arg15 : memref<!tpu.dma_semaphore, #tpu.memory_space<semaphore_mem>>)
      } else {
      }
      %ge3A_136 = arith.constant 24 : i32
      %ge3A_137 = arith.cmpi sge, %scan3A_65, %ge3A_136 : i32
      %convert_element_type3A_138 = arith.extui %ge3A_137 : i1 to i32
      %cond3A_139 = arith.constant 0 : i32
      %cond3A_140 = arith.cmpi ne, %convert_element_type3A_138, %cond3A_139 : i32
      scf.if %cond3A_140 {
        %mul3A_229 = arith.constant 2 : i32
        %mul3A_230 = arith.muli %add3A, %mul3A_229 : i32
        %sub3A = arith.constant 24 : i32
        %sub3A_231 = arith.subi %scan3A_65, %sub3A : i32
        %add3A_232 = arith.addi %mul3A_230, %sub3A_231 : i32
        %dma_start3A_233 = arith.constant 0 : i32
        %dma_start3A_234 = tpu.memref_slice %arg6[%add3A_232, %dma_start3A_233] : memref<64x16384xf32, #tpu.memory_space<hbm>> -> memref<1x16384xf32, #tpu.memory_space<hbm>>
        %dma_start3A_235 = arith.constant 0 : i32
        %dma_start3A_236 = arith.constant 4096 : i32
        %dma_start3A_237 = tpu.memref_slice %dma_start3A_234[%dma_start3A_235, %dma_start3A_236] : memref<1x16384xf32, #tpu.memory_space<hbm>> -> memref<1x4096xf32, #tpu.memory_space<hbm>>
        %dma_start3A_238 = arith.constant 0 : i32
        %dma_start3A_239 = tpu.memref_slice %arg6[%add3A_232, %dma_start3A_238] : memref<64x16384xf32, #tpu.memory_space<hbm>> -> memref<1x16384xf32, #tpu.memory_space<hbm>>
        %dma_start3A_240 = arith.constant 0 : i32
        %dma_start3A_241 = arith.constant 4096 : i32
        %dma_start3A_242 = tpu.memref_slice %dma_start3A_239[%dma_start3A_240, %dma_start3A_241] : memref<1x16384xf32, #tpu.memory_space<hbm>> -> memref<1x4096xf32, #tpu.memory_space<hbm>>
        tpu.enqueue_dma source(%arg11 : memref<1x4096xf32, #tpu.memory_space<vmem>>) target(%dma_start3A_242 : memref<1x4096xf32, #tpu.memory_space<hbm>>) target_semaphore(%arg15 : memref<!tpu.dma_semaphore, #tpu.memory_space<semaphore_mem>>)
      } else {
      }
      %gt3A_141 = arith.constant 0 : i32
      %gt3A_142 = arith.cmpi sgt, %scan3A_65, %gt3A_141 : i32
      %or3A_143 = arith.constant true
      %or3A_144 = arith.ori %gt3A_142, %or3A_143 : i1
      %convert_element_type3A_145 = arith.extui %or3A_144 : i1 to i32
      %cond3A_146 = arith.constant 0 : i32
      %cond3A_147 = arith.cmpi ne, %convert_element_type3A_145, %cond3A_146 : i32
      scf.if %cond3A_147 {
        %dma_wait3A_229 = arith.constant 0 : i32
        %dma_wait3A_230 = arith.constant 0 : i32
        %dma_wait3A_231 = tpu.memref_slice %arg5[%dma_wait3A_229, %dma_wait3A_230] : memref<768x16384xf32, #tpu.memory_space<hbm>> -> memref<1x16384xf32, #tpu.memory_space<hbm>>
        %dma_wait3A_232 = arith.constant 0 : i32
        %dma_wait3A_233 = arith.constant 0 : i32
        %dma_wait3A_234 = tpu.memref_slice %dma_wait3A_231[%dma_wait3A_232, %dma_wait3A_233] : memref<1x16384xf32, #tpu.memory_space<hbm>> -> memref<1x4096xf32, #tpu.memory_space<hbm>>
        %dma_wait3A_235 = arith.constant 0 : i32
        %dma_wait3A_236 = arith.constant 0 : i32
        %dma_wait3A_237 = tpu.memref_slice %arg5[%dma_wait3A_235, %dma_wait3A_236] : memref<768x16384xf32, #tpu.memory_space<hbm>> -> memref<1x16384xf32, #tpu.memory_space<hbm>>
        %dma_wait3A_238 = arith.constant 0 : i32
        %dma_wait3A_239 = arith.constant 0 : i32
        %dma_wait3A_240 = tpu.memref_slice %dma_wait3A_237[%dma_wait3A_238, %dma_wait3A_239] : memref<1x16384xf32, #tpu.memory_space<hbm>> -> memref<1x4096xf32, #tpu.memory_space<hbm>>
        tpu.wait_dma2 semaphore(%arg14 : memref<!tpu.dma_semaphore, #tpu.memory_space<semaphore_mem>>) src(%arg10 : memref<1x4096xf32, #tpu.memory_space<vmem>>) dst(%dma_wait3A_240 : memref<1x4096xf32, #tpu.memory_space<hbm>>)
      } else {
      }
      %broadcast_in_dim3A_148 = arith.constant 0 : i32
      %broadcast_in_dim3A_149 = vector.broadcast %broadcast_in_dim3A_148 : i32 to vector<16xi32>
      %iota3A_150 = tpu.iota {dimensions = array<i32: 0>} : vector<16xi32>
      %parallel_loop3A_151 = arith.constant 0 : i32
      %parallel_loop3A_152 = arith.constant 256 : i32
      %parallel_loop3A_153 = arith.constant 1 : i32
      scf.for %parallel_loop3A_229 = %parallel_loop3A_151 to %parallel_loop3A_152 step %parallel_loop3A_153  : i32 {
        %parallel_loop3A_230 = arith.constant 16 : i32
        %parallel_loop3A_231 = arith.muli %parallel_loop3A_229, %parallel_loop3A_230 : i32
        %parallel_loop3A_232 = arith.constant 8192 : i32
        %parallel_loop3A_233 = arith.addi %parallel_loop3A_232, %parallel_loop3A_231 : i32
        %parallel_loop3A_234 = arith.index_cast %parallel_loop3A_233 : i32 to index
        %parallel_loop3A_235 = tpu.vector_load %arg7[%parallel_loop3A_234] {strides = array<i32>} : memref<16384xi32, #tpu.memory_space<vmem>>, vector<16xi32>,
        %parallel_loop3A_236 = arith.constant 50048 : i32
        %parallel_loop3A_237 = vector.broadcast %parallel_loop3A_236 : i32 to vector<16xi32>
        %parallel_loop3A_238 = arith.cmpi slt, %parallel_loop3A_235, %parallel_loop3A_237 : vector<16xi32>
        %parallel_loop3A_239 = arith.constant 0 : i32
        %parallel_loop3A_240 = vector.broadcast %parallel_loop3A_239 : i32 to vector<16xi32>
        %parallel_loop3A_241 = arith.select %parallel_loop3A_238, %parallel_loop3A_235, %parallel_loop3A_240 : vector<16xi1>, vector<16xi32>
        %parallel_loop3A_242 = tpu.vector_load_idx %arg8[%broadcast_in_dim3A_149, %parallel_loop3A_241] masked %parallel_loop3A_238 : memref<1x50048xf32, #tpu.memory_space<vmem>>[vector<16xi32>, vector<16xi32>], vector<16xf32>, vector<16xi1>
        %parallel_loop3A_243 = vector.broadcast %parallel_loop3A_231 : i32 to vector<16xi32>
        %parallel_loop3A_244 = arith.addi %iota3A_150, %parallel_loop3A_243 : vector<16xi32>
        tpu.vector_store_idx %arg10[%broadcast_in_dim3A_149, %parallel_loop3A_244], %parallel_loop3A_242 masked %parallel_loop3A_238 : memref<1x4096xf32, #tpu.memory_space<vmem>>[vector<16xi32>, vector<16xi32>], vector<16xf32>, vector<16xi1>
      } {sc.loop_unroll_factor = 8 : i64, sc.parallel_access}
      %gt3A_154 = arith.constant 0 : i32
      %gt3A_155 = arith.cmpi sgt, %scan3A_65, %gt3A_154 : i32
      %or3A_156 = arith.constant true
      %or3A_157 = arith.ori %gt3A_155, %or3A_156 : i1
      %convert_element_type3A_158 = arith.extui %or3A_157 : i1 to i32
      %cond3A_159 = arith.constant 0 : i32
      %cond3A_160 = arith.cmpi ne, %convert_element_type3A_158, %cond3A_159 : i32
      scf.if %cond3A_160 {
        %dma_wait3A_229 = arith.constant 0 : i32
        %dma_wait3A_230 = arith.constant 0 : i32
        %dma_wait3A_231 = tpu.memref_slice %arg5[%dma_wait3A_229, %dma_wait3A_230] : memref<768x16384xf32, #tpu.memory_space<hbm>> -> memref<1x16384xf32, #tpu.memory_space<hbm>>
        %dma_wait3A_232 = arith.constant 0 : i32
        %dma_wait3A_233 = arith.constant 0 : i32
        %dma_wait3A_234 = tpu.memref_slice %dma_wait3A_231[%dma_wait3A_232, %dma_wait3A_233] : memref<1x16384xf32, #tpu.memory_space<hbm>> -> memref<1x4096xf32, #tpu.memory_space<hbm>>
        %dma_wait3A_235 = arith.constant 0 : i32
        %dma_wait3A_236 = arith.constant 0 : i32
        %dma_wait3A_237 = tpu.memref_slice %arg5[%dma_wait3A_235, %dma_wait3A_236] : memref<768x16384xf32, #tpu.memory_space<hbm>> -> memref<1x16384xf32, #tpu.memory_space<hbm>>
        %dma_wait3A_238 = arith.constant 0 : i32
        %dma_wait3A_239 = arith.constant 0 : i32
        %dma_wait3A_240 = tpu.memref_slice %dma_wait3A_237[%dma_wait3A_238, %dma_wait3A_239] : memref<1x16384xf32, #tpu.memory_space<hbm>> -> memref<1x4096xf32, #tpu.memory_space<hbm>>
        tpu.wait_dma2 semaphore(%arg15 : memref<!tpu.dma_semaphore, #tpu.memory_space<semaphore_mem>>) src(%arg10 : memref<1x4096xf32, #tpu.memory_space<vmem>>) dst(%dma_wait3A_240 : memref<1x4096xf32, #tpu.memory_space<hbm>>)
      } else {
      }
      %broadcast_in_dim3A_161 = arith.constant 0 : i32
      %broadcast_in_dim3A_162 = vector.broadcast %broadcast_in_dim3A_161 : i32 to vector<16xi32>
      %iota3A_163 = tpu.iota {dimensions = array<i32: 0>} : vector<16xi32>
      %parallel_loop3A_164 = arith.constant 0 : i32
      %parallel_loop3A_165 = arith.constant 256 : i32
      %parallel_loop3A_166 = arith.constant 1 : i32
      scf.for %parallel_loop3A_229 = %parallel_loop3A_164 to %parallel_loop3A_165 step %parallel_loop3A_166  : i32 {
        %parallel_loop3A_230 = arith.constant 16 : i32
        %parallel_loop3A_231 = arith.muli %parallel_loop3A_229, %parallel_loop3A_230 : i32
        %parallel_loop3A_232 = arith.constant 12288 : i32
        %parallel_loop3A_233 = arith.addi %parallel_loop3A_232, %parallel_loop3A_231 : i32
        %parallel_loop3A_234 = arith.index_cast %parallel_loop3A_233 : i32 to index
        %parallel_loop3A_235 = tpu.vector_load %arg7[%parallel_loop3A_234] {strides = array<i32>} : memref<16384xi32, #tpu.memory_space<vmem>>, vector<16xi32>,
        %parallel_loop3A_236 = arith.constant 50048 : i32
        %parallel_loop3A_237 = vector.broadcast %parallel_loop3A_236 : i32 to vector<16xi32>
        %parallel_loop3A_238 = arith.cmpi slt, %parallel_loop3A_235, %parallel_loop3A_237 : vector<16xi32>
        %parallel_loop3A_239 = arith.constant 0 : i32
        %parallel_loop3A_240 = vector.broadcast %parallel_loop3A_239 : i32 to vector<16xi32>
        %parallel_loop3A_241 = arith.select %parallel_loop3A_238, %parallel_loop3A_235, %parallel_loop3A_240 : vector<16xi1>, vector<16xi32>
        %parallel_loop3A_242 = tpu.vector_load_idx %arg8[%broadcast_in_dim3A_162, %parallel_loop3A_241] masked %parallel_loop3A_238 : memref<1x50048xf32, #tpu.memory_space<vmem>>[vector<16xi32>, vector<16xi32>], vector<16xf32>, vector<16xi1>
        %parallel_loop3A_243 = vector.broadcast %parallel_loop3A_231 : i32 to vector<16xi32>
        %parallel_loop3A_244 = arith.addi %iota3A_163, %parallel_loop3A_243 : vector<16xi32>
        tpu.vector_store_idx %arg11[%broadcast_in_dim3A_162, %parallel_loop3A_244], %parallel_loop3A_242 masked %parallel_loop3A_238 : memref<1x4096xf32, #tpu.memory_space<vmem>>[vector<16xi32>, vector<16xi32>], vector<16xf32>, vector<16xi1>
      } {sc.loop_unroll_factor = 8 : i64, sc.parallel_access}
      %broadcast_in_dim3A_167 = arith.constant 0 : i32
      %broadcast_in_dim3A_168 = vector.broadcast %broadcast_in_dim3A_167 : i32 to vector<16xi32>
      %iota3A_169 = tpu.iota {dimensions = array<i32: 0>} : vector<16xi32>
      %parallel_loop3A_170 = arith.constant 0 : i32
      %parallel_loop3A_171 = arith.constant 256 : i32
      %parallel_loop3A_172 = arith.constant 1 : i32
      scf.for %parallel_loop3A_229 = %parallel_loop3A_170 to %parallel_loop3A_171 step %parallel_loop3A_172  : i32 {
        %parallel_loop3A_230 = arith.constant 16 : i32
        %parallel_loop3A_231 = arith.muli %parallel_loop3A_229, %parallel_loop3A_230 : i32
        %parallel_loop3A_232 = arith.constant 8192 : i32
        %parallel_loop3A_233 = arith.addi %parallel_loop3A_232, %parallel_loop3A_231 : i32
        %parallel_loop3A_234 = arith.index_cast %parallel_loop3A_233 : i32 to index
        %parallel_loop3A_235 = tpu.vector_load %arg7[%parallel_loop3A_234] {strides = array<i32>} : memref<16384xi32, #tpu.memory_space<vmem>>, vector<16xi32>,
        %parallel_loop3A_236 = arith.constant 50048 : i32
        %parallel_loop3A_237 = vector.broadcast %parallel_loop3A_236 : i32 to vector<16xi32>
        %parallel_loop3A_238 = arith.cmpi sge, %parallel_loop3A_235, %parallel_loop3A_237 : vector<16xi32>
        %parallel_loop3A_239 = arith.constant 50048 : i32
        %parallel_loop3A_240 = vector.broadcast %parallel_loop3A_239 : i32 to vector<16xi32>
        %parallel_loop3A_241 = arith.subi %parallel_loop3A_235, %parallel_loop3A_240 : vector<16xi32>
        %parallel_loop3A_242 = arith.constant 0 : i32
        %parallel_loop3A_243 = vector.broadcast %parallel_loop3A_242 : i32 to vector<16xi32>
        %parallel_loop3A_244 = arith.select %parallel_loop3A_238, %parallel_loop3A_241, %parallel_loop3A_243 : vector<16xi1>, vector<16xi32>
        %parallel_loop3A_245 = tpu.vector_load_idx %arg9[%broadcast_in_dim3A_168, %parallel_loop3A_244] masked %parallel_loop3A_238 : memref<1x49952xf32, #tpu.memory_space<vmem>>[vector<16xi32>, vector<16xi32>], vector<16xf32>, vector<16xi1>
        %parallel_loop3A_246 = vector.broadcast %parallel_loop3A_231 : i32 to vector<16xi32>
        %parallel_loop3A_247 = arith.addi %iota3A_169, %parallel_loop3A_246 : vector<16xi32>
        tpu.vector_store_idx %arg10[%broadcast_in_dim3A_168, %parallel_loop3A_247], %parallel_loop3A_245 masked %parallel_loop3A_238 : memref<1x4096xf32, #tpu.memory_space<vmem>>[vector<16xi32>, vector<16xi32>], vector<16xf32>, vector<16xi1>
      } {sc.loop_unroll_factor = 8 : i64, sc.parallel_access}
      %lt3A_173 = arith.constant 24 : i32
      %lt3A_174 = arith.cmpi slt, %scan3A_65, %lt3A_173 : i32
      %convert_element_type3A_175 = arith.extui %lt3A_174 : i1 to i32
      %cond3A_176 = arith.constant 0 : i32
      %cond3A_177 = arith.cmpi ne, %convert_element_type3A_175, %cond3A_176 : i32
      scf.if %cond3A_177 {
        %mul3A_229 = arith.constant 24 : i32
        %mul3A_230 = arith.muli %add3A, %mul3A_229 : i32
        %add3A_231 = arith.addi %mul3A_230, %scan3A_65 : i32
        %dma_start3A_232 = arith.constant 0 : i32
        %dma_start3A_233 = tpu.memref_slice %arg5[%add3A_231, %dma_start3A_232] : memref<768x16384xf32, #tpu.memory_space<hbm>> -> memref<1x16384xf32, #tpu.memory_space<hbm>>
        %dma_start3A_234 = arith.constant 0 : i32
        %dma_start3A_235 = arith.constant 8192 : i32
        %dma_start3A_236 = tpu.memref_slice %dma_start3A_233[%dma_start3A_234, %dma_start3A_235] : memref<1x16384xf32, #tpu.memory_space<hbm>> -> memref<1x4096xf32, #tpu.memory_space<hbm>>
        %dma_start3A_237 = arith.constant 0 : i32
        %dma_start3A_238 = tpu.memref_slice %arg5[%add3A_231, %dma_start3A_237] : memref<768x16384xf32, #tpu.memory_space<hbm>> -> memref<1x16384xf32, #tpu.memory_space<hbm>>
        %dma_start3A_239 = arith.constant 0 : i32
        %dma_start3A_240 = arith.constant 8192 : i32
        %dma_start3A_241 = tpu.memref_slice %dma_start3A_238[%dma_start3A_239, %dma_start3A_240] : memref<1x16384xf32, #tpu.memory_space<hbm>> -> memref<1x4096xf32, #tpu.memory_space<hbm>>
        tpu.enqueue_dma source(%arg10 : memref<1x4096xf32, #tpu.memory_space<vmem>>) target(%dma_start3A_241 : memref<1x4096xf32, #tpu.memory_space<hbm>>) target_semaphore(%arg14 : memref<!tpu.dma_semaphore, #tpu.memory_space<semaphore_mem>>)
      } else {
      }
      %ge3A_178 = arith.constant 24 : i32
      %ge3A_179 = arith.cmpi sge, %scan3A_65, %ge3A_178 : i32
      %convert_element_type3A_180 = arith.extui %ge3A_179 : i1 to i32
      %cond3A_181 = arith.constant 0 : i32
      %cond3A_182 = arith.cmpi ne, %convert_element_type3A_180, %cond3A_181 : i32
      scf.if %cond3A_182 {
        %mul3A_229 = arith.constant 2 : i32
        %mul3A_230 = arith.muli %add3A, %mul3A_229 : i32
        %sub3A = arith.constant 24 : i32
        %sub3A_231 = arith.subi %scan3A_65, %sub3A : i32
        %add3A_232 = arith.addi %mul3A_230, %sub3A_231 : i32
        %dma_start3A_233 = arith.constant 0 : i32
        %dma_start3A_234 = tpu.memref_slice %arg6[%add3A_232, %dma_start3A_233] : memref<64x16384xf32, #tpu.memory_space<hbm>> -> memref<1x16384xf32, #tpu.memory_space<hbm>>
        %dma_start3A_235 = arith.constant 0 : i32
        %dma_start3A_236 = arith.constant 8192 : i32
        %dma_start3A_237 = tpu.memref_slice %dma_start3A_234[%dma_start3A_235, %dma_start3A_236] : memref<1x16384xf32, #tpu.memory_space<hbm>> -> memref<1x4096xf32, #tpu.memory_space<hbm>>
        %dma_start3A_238 = arith.constant 0 : i32
        %dma_start3A_239 = tpu.memref_slice %arg6[%add3A_232, %dma_start3A_238] : memref<64x16384xf32, #tpu.memory_space<hbm>> -> memref<1x16384xf32, #tpu.memory_space<hbm>>
        %dma_start3A_240 = arith.constant 0 : i32
        %dma_start3A_241 = arith.constant 8192 : i32
        %dma_start3A_242 = tpu.memref_slice %dma_start3A_239[%dma_start3A_240, %dma_start3A_241] : memref<1x16384xf32, #tpu.memory_space<hbm>> -> memref<1x4096xf32, #tpu.memory_space<hbm>>
        tpu.enqueue_dma source(%arg10 : memref<1x4096xf32, #tpu.memory_space<vmem>>) target(%dma_start3A_242 : memref<1x4096xf32, #tpu.memory_space<hbm>>) target_semaphore(%arg14 : memref<!tpu.dma_semaphore, #tpu.memory_space<semaphore_mem>>)
      } else {
      }
      %broadcast_in_dim3A_183 = arith.constant 0 : i32
      %broadcast_in_dim3A_184 = vector.broadcast %broadcast_in_dim3A_183 : i32 to vector<16xi32>
      %iota3A_185 = tpu.iota {dimensions = array<i32: 0>} : vector<16xi32>
      %parallel_loop3A_186 = arith.constant 0 : i32
      %parallel_loop3A_187 = arith.constant 256 : i32
      %parallel_loop3A_188 = arith.constant 1 : i32
      scf.for %parallel_loop3A_229 = %parallel_loop3A_186 to %parallel_loop3A_187 step %parallel_loop3A_188  : i32 {
        %parallel_loop3A_230 = arith.constant 16 : i32
        %parallel_loop3A_231 = arith.muli %parallel_loop3A_229, %parallel_loop3A_230 : i32
        %parallel_loop3A_232 = arith.constant 12288 : i32
        %parallel_loop3A_233 = arith.addi %parallel_loop3A_232, %parallel_loop3A_231 : i32
        %parallel_loop3A_234 = arith.index_cast %parallel_loop3A_233 : i32 to index
        %parallel_loop3A_235 = tpu.vector_load %arg7[%parallel_loop3A_234] {strides = array<i32>} : memref<16384xi32, #tpu.memory_space<vmem>>, vector<16xi32>,
        %parallel_loop3A_236 = arith.constant 50048 : i32
        %parallel_loop3A_237 = vector.broadcast %parallel_loop3A_236 : i32 to vector<16xi32>
        %parallel_loop3A_238 = arith.cmpi sge, %parallel_loop3A_235, %parallel_loop3A_237 : vector<16xi32>
        %parallel_loop3A_239 = arith.constant 50048 : i32
        %parallel_loop3A_240 = vector.broadcast %parallel_loop3A_239 : i32 to vector<16xi32>
        %parallel_loop3A_241 = arith.subi %parallel_loop3A_235, %parallel_loop3A_240 : vector<16xi32>
        %parallel_loop3A_242 = arith.constant 0 : i32
        %parallel_loop3A_243 = vector.broadcast %parallel_loop3A_242 : i32 to vector<16xi32>
        %parallel_loop3A_244 = arith.select %parallel_loop3A_238, %parallel_loop3A_241, %parallel_loop3A_243 : vector<16xi1>, vector<16xi32>
        %parallel_loop3A_245 = tpu.vector_load_idx %arg9[%broadcast_in_dim3A_184, %parallel_loop3A_244] masked %parallel_loop3A_238 : memref<1x49952xf32, #tpu.memory_space<vmem>>[vector<16xi32>, vector<16xi32>], vector<16xf32>, vector<16xi1>
        %parallel_loop3A_246 = vector.broadcast %parallel_loop3A_231 : i32 to vector<16xi32>
        %parallel_loop3A_247 = arith.addi %iota3A_185, %parallel_loop3A_246 : vector<16xi32>
        tpu.vector_store_idx %arg11[%broadcast_in_dim3A_184, %parallel_loop3A_247], %parallel_loop3A_245 masked %parallel_loop3A_238 : memref<1x4096xf32, #tpu.memory_space<vmem>>[vector<16xi32>, vector<16xi32>], vector<16xf32>, vector<16xi1>
      } {sc.loop_unroll_factor = 8 : i64, sc.parallel_access}
      %lt3A_189 = arith.constant 24 : i32
      %lt3A_190 = arith.cmpi slt, %scan3A_65, %lt3A_189 : i32
      %convert_element_type3A_191 = arith.extui %lt3A_190 : i1 to i32
      %cond3A_192 = arith.constant 0 : i32
      %cond3A_193 = arith.cmpi ne, %convert_element_type3A_191, %cond3A_192 : i32
      scf.if %cond3A_193 {
        %mul3A_229 = arith.constant 24 : i32
        %mul3A_230 = arith.muli %add3A, %mul3A_229 : i32
        %add3A_231 = arith.addi %mul3A_230, %scan3A_65 : i32
        %dma_start3A_232 = arith.constant 0 : i32
        %dma_start3A_233 = tpu.memref_slice %arg5[%add3A_231, %dma_start3A_232] : memref<768x16384xf32, #tpu.memory_space<hbm>> -> memref<1x16384xf32, #tpu.memory_space<hbm>>
        %dma_start3A_234 = arith.constant 0 : i32
        %dma_start3A_235 = arith.constant 12288 : i32
        %dma_start3A_236 = tpu.memref_slice %dma_start3A_233[%dma_start3A_234, %dma_start3A_235] : memref<1x16384xf32, #tpu.memory_space<hbm>> -> memref<1x4096xf32, #tpu.memory_space<hbm>>
        %dma_start3A_237 = arith.constant 0 : i32
        %dma_start3A_238 = tpu.memref_slice %arg5[%add3A_231, %dma_start3A_237] : memref<768x16384xf32, #tpu.memory_space<hbm>> -> memref<1x16384xf32, #tpu.memory_space<hbm>>
        %dma_start3A_239 = arith.constant 0 : i32
        %dma_start3A_240 = arith.constant 12288 : i32
        %dma_start3A_241 = tpu.memref_slice %dma_start3A_238[%dma_start3A_239, %dma_start3A_240] : memref<1x16384xf32, #tpu.memory_space<hbm>> -> memref<1x4096xf32, #tpu.memory_space<hbm>>
        tpu.enqueue_dma source(%arg11 : memref<1x4096xf32, #tpu.memory_space<vmem>>) target(%dma_start3A_241 : memref<1x4096xf32, #tpu.memory_space<hbm>>) target_semaphore(%arg15 : memref<!tpu.dma_semaphore, #tpu.memory_space<semaphore_mem>>)
      } else {
      }
      %ge3A_194 = arith.constant 24 : i32
      %ge3A_195 = arith.cmpi sge, %scan3A_65, %ge3A_194 : i32
      %convert_element_type3A_196 = arith.extui %ge3A_195 : i1 to i32
      %cond3A_197 = arith.constant 0 : i32
      %cond3A_198 = arith.cmpi ne, %convert_element_type3A_196, %cond3A_197 : i32
      scf.if %cond3A_198 {
        %mul3A_229 = arith.constant 2 : i32
        %mul3A_230 = arith.muli %add3A, %mul3A_229 : i32
        %sub3A = arith.constant 24 : i32
        %sub3A_231 = arith.subi %scan3A_65, %sub3A : i32
        %add3A_232 = arith.addi %mul3A_230, %sub3A_231 : i32
        %dma_start3A_233 = arith.constant 0 : i32
        %dma_start3A_234 = tpu.memref_slice %arg6[%add3A_232, %dma_start3A_233] : memref<64x16384xf32, #tpu.memory_space<hbm>> -> memref<1x16384xf32, #tpu.memory_space<hbm>>
        %dma_start3A_235 = arith.constant 0 : i32
        %dma_start3A_236 = arith.constant 12288 : i32
        %dma_start3A_237 = tpu.memref_slice %dma_start3A_234[%dma_start3A_235, %dma_start3A_236] : memref<1x16384xf32, #tpu.memory_space<hbm>> -> memref<1x4096xf32, #tpu.memory_space<hbm>>
        %dma_start3A_238 = arith.constant 0 : i32
        %dma_start3A_239 = tpu.memref_slice %arg6[%add3A_232, %dma_start3A_238] : memref<64x16384xf32, #tpu.memory_space<hbm>> -> memref<1x16384xf32, #tpu.memory_space<hbm>>
        %dma_start3A_240 = arith.constant 0 : i32
        %dma_start3A_241 = arith.constant 12288 : i32
        %dma_start3A_242 = tpu.memref_slice %dma_start3A_239[%dma_start3A_240, %dma_start3A_241] : memref<1x16384xf32, #tpu.memory_space<hbm>> -> memref<1x4096xf32, #tpu.memory_space<hbm>>
        tpu.enqueue_dma source(%arg11 : memref<1x4096xf32, #tpu.memory_space<vmem>>) target(%dma_start3A_242 : memref<1x4096xf32, #tpu.memory_space<hbm>>) target_semaphore(%arg15 : memref<!tpu.dma_semaphore, #tpu.memory_space<semaphore_mem>>)
      } else {
      }
      %add3A_199 = arith.constant 1 : i32
      %add3A_200 = arith.addi %scan3A_65, %add3A_199 : i32
      %lt3A_201 = arith.constant 24 : i32
      %lt3A_202 = arith.cmpi slt, %add3A_200, %lt3A_201 : i32
      %convert_element_type3A_203 = arith.extui %lt3A_202 : i1 to i32
      %cond3A_204 = arith.constant 0 : i32
      %cond3A_205 = arith.cmpi ne, %convert_element_type3A_203, %cond3A_204 : i32
      scf.if %cond3A_205 {
        %mul3A_229 = arith.constant 24 : i32
        %mul3A_230 = arith.muli %add3A, %mul3A_229 : i32
        %add3A_231 = arith.addi %mul3A_230, %add3A_200 : i32
        %dma_start3A_232 = arith.constant 0 : i32
        %dma_start3A_233 = tpu.memref_slice %arg2[%add3A_231, %dma_start3A_232] : memref<768x100000xf32, #tpu.memory_space<hbm>> -> memref<1x100000xf32, #tpu.memory_space<hbm>>
        %dma_start3A_234 = arith.constant 0 : i32
        %dma_start3A_235 = arith.constant 0 : i32
        %dma_start3A_236 = tpu.memref_slice %dma_start3A_233[%dma_start3A_234, %dma_start3A_235] : memref<1x100000xf32, #tpu.memory_space<hbm>> -> memref<1x50048xf32, #tpu.memory_space<hbm>>
        %dma_start3A_237 = arith.constant 0 : i32
        %dma_start3A_238 = tpu.memref_slice %arg2[%add3A_231, %dma_start3A_237] : memref<768x100000xf32, #tpu.memory_space<hbm>> -> memref<1x100000xf32, #tpu.memory_space<hbm>>
        %dma_start3A_239 = arith.constant 0 : i32
        %dma_start3A_240 = arith.constant 0 : i32
        %dma_start3A_241 = tpu.memref_slice %dma_start3A_238[%dma_start3A_239, %dma_start3A_240] : memref<1x100000xf32, #tpu.memory_space<hbm>> -> memref<1x50048xf32, #tpu.memory_space<hbm>>
        tpu.enqueue_dma source(%dma_start3A_241 : memref<1x50048xf32, #tpu.memory_space<hbm>>) target(%arg8 : memref<1x50048xf32, #tpu.memory_space<vmem>>) target_semaphore(%arg12 : memref<!tpu.dma_semaphore, #tpu.memory_space<semaphore_mem>>)
      } else {
      }
      %ge3A_206 = arith.constant 24 : i32
      %ge3A_207 = arith.cmpi sge, %add3A_200, %ge3A_206 : i32
      %lt3A_208 = arith.constant 26 : i32
      %lt3A_209 = arith.cmpi slt, %add3A_200, %lt3A_208 : i32
      %and3A_210 = arith.andi %ge3A_207, %lt3A_209 : i1
      %convert_element_type3A_211 = arith.extui %and3A_210 : i1 to i32
      %cond3A_212 = arith.constant 0 : i32
      %cond3A_213 = arith.cmpi ne, %convert_element_type3A_211, %cond3A_212 : i32
      scf.if %cond3A_213 {
        %mul3A_229 = arith.constant 2 : i32
        %mul3A_230 = arith.muli %add3A, %mul3A_229 : i32
        %sub3A = arith.constant 24 : i32
        %sub3A_231 = arith.subi %add3A_200, %sub3A : i32
        %add3A_232 = arith.addi %mul3A_230, %sub3A_231 : i32
        %dma_start3A_233 = arith.constant 0 : i32
        %dma_start3A_234 = tpu.memref_slice %arg3[%add3A_232, %dma_start3A_233] : memref<64x100000xf32, #tpu.memory_space<hbm>> -> memref<1x100000xf32, #tpu.memory_space<hbm>>
        %dma_start3A_235 = arith.constant 0 : i32
        %dma_start3A_236 = arith.constant 0 : i32
        %dma_start3A_237 = tpu.memref_slice %dma_start3A_234[%dma_start3A_235, %dma_start3A_236] : memref<1x100000xf32, #tpu.memory_space<hbm>> -> memref<1x50048xf32, #tpu.memory_space<hbm>>
        %dma_start3A_238 = arith.constant 0 : i32
        %dma_start3A_239 = tpu.memref_slice %arg3[%add3A_232, %dma_start3A_238] : memref<64x100000xf32, #tpu.memory_space<hbm>> -> memref<1x100000xf32, #tpu.memory_space<hbm>>
        %dma_start3A_240 = arith.constant 0 : i32
        %dma_start3A_241 = arith.constant 0 : i32
        %dma_start3A_242 = tpu.memref_slice %dma_start3A_239[%dma_start3A_240, %dma_start3A_241] : memref<1x100000xf32, #tpu.memory_space<hbm>> -> memref<1x50048xf32, #tpu.memory_space<hbm>>
        tpu.enqueue_dma source(%dma_start3A_242 : memref<1x50048xf32, #tpu.memory_space<hbm>>) target(%arg8 : memref<1x50048xf32, #tpu.memory_space<vmem>>) target_semaphore(%arg12 : memref<!tpu.dma_semaphore, #tpu.memory_space<semaphore_mem>>)
      } else {
      }
      %add3A_214 = arith.constant 1 : i32
      %add3A_215 = arith.addi %scan3A_65, %add3A_214 : i32
      %lt3A_216 = arith.constant 24 : i32
      %lt3A_217 = arith.cmpi slt, %add3A_215, %lt3A_216 : i32
      %convert_element_type3A_218 = arith.extui %lt3A_217 : i1 to i32
      %cond3A_219 = arith.constant 0 : i32
      %cond3A_220 = arith.cmpi ne, %convert_element_type3A_218, %cond3A_219 : i32
      scf.if %cond3A_220 {
        %mul3A_229 = arith.constant 24 : i32
        %mul3A_230 = arith.muli %add3A, %mul3A_229 : i32
        %add3A_231 = arith.addi %mul3A_230, %add3A_215 : i32
        %dma_start3A_232 = arith.constant 0 : i32
        %dma_start3A_233 = tpu.memref_slice %arg2[%add3A_231, %dma_start3A_232] : memref<768x100000xf32, #tpu.memory_space<hbm>> -> memref<1x100000xf32, #tpu.memory_space<hbm>>
        %dma_start3A_234 = arith.constant 0 : i32
        %dma_start3A_235 = arith.constant 50048 : i32
        %dma_start3A_236 = tpu.memref_slice %dma_start3A_233[%dma_start3A_234, %dma_start3A_235] : memref<1x100000xf32, #tpu.memory_space<hbm>> -> memref<1x49952xf32, #tpu.memory_space<hbm>>
        %dma_start3A_237 = arith.constant 0 : i32
        %dma_start3A_238 = tpu.memref_slice %arg2[%add3A_231, %dma_start3A_237] : memref<768x100000xf32, #tpu.memory_space<hbm>> -> memref<1x100000xf32, #tpu.memory_space<hbm>>
        %dma_start3A_239 = arith.constant 0 : i32
        %dma_start3A_240 = arith.constant 50048 : i32
        %dma_start3A_241 = tpu.memref_slice %dma_start3A_238[%dma_start3A_239, %dma_start3A_240] : memref<1x100000xf32, #tpu.memory_space<hbm>> -> memref<1x49952xf32, #tpu.memory_space<hbm>>
        tpu.enqueue_dma source(%dma_start3A_241 : memref<1x49952xf32, #tpu.memory_space<hbm>>) target(%arg9 : memref<1x49952xf32, #tpu.memory_space<vmem>>) target_semaphore(%arg13 : memref<!tpu.dma_semaphore, #tpu.memory_space<semaphore_mem>>)
      } else {
      }
      %ge3A_221 = arith.constant 24 : i32
      %ge3A_222 = arith.cmpi sge, %add3A_215, %ge3A_221 : i32
      %lt3A_223 = arith.constant 26 : i32
      %lt3A_224 = arith.cmpi slt, %add3A_215, %lt3A_223 : i32
      %and3A_225 = arith.andi %ge3A_222, %lt3A_224 : i1
      %convert_element_type3A_226 = arith.extui %and3A_225 : i1 to i32
      %cond3A_227 = arith.constant 0 : i32
      %cond3A_228 = arith.cmpi ne, %convert_element_type3A_226, %cond3A_227 : i32
      scf.if %cond3A_228 {
        %mul3A_229 = arith.constant 2 : i32
        %mul3A_230 = arith.muli %add3A, %mul3A_229 : i32
        %sub3A = arith.constant 24 : i32
        %sub3A_231 = arith.subi %add3A_215, %sub3A : i32
        %add3A_232 = arith.addi %mul3A_230, %sub3A_231 : i32
        %dma_start3A_233 = arith.constant 0 : i32
        %dma_start3A_234 = tpu.memref_slice %arg3[%add3A_232, %dma_start3A_233] : memref<64x100000xf32, #tpu.memory_space<hbm>> -> memref<1x100000xf32, #tpu.memory_space<hbm>>
        %dma_start3A_235 = arith.constant 0 : i32
        %dma_start3A_236 = arith.constant 50048 : i32
        %dma_start3A_237 = tpu.memref_slice %dma_start3A_234[%dma_start3A_235, %dma_start3A_236] : memref<1x100000xf32, #tpu.memory_space<hbm>> -> memref<1x49952xf32, #tpu.memory_space<hbm>>
        %dma_start3A_238 = arith.constant 0 : i32
        %dma_start3A_239 = tpu.memref_slice %arg3[%add3A_232, %dma_start3A_238] : memref<64x100000xf32, #tpu.memory_space<hbm>> -> memref<1x100000xf32, #tpu.memory_space<hbm>>
        %dma_start3A_240 = arith.constant 0 : i32
        %dma_start3A_241 = arith.constant 50048 : i32
        %dma_start3A_242 = tpu.memref_slice %dma_start3A_239[%dma_start3A_240, %dma_start3A_241] : memref<1x100000xf32, #tpu.memory_space<hbm>> -> memref<1x49952xf32, #tpu.memory_space<hbm>>
        tpu.enqueue_dma source(%dma_start3A_242 : memref<1x49952xf32, #tpu.memory_space<hbm>>) target(%arg9 : memref<1x49952xf32, #tpu.memory_space<vmem>>) target_semaphore(%arg13 : memref<!tpu.dma_semaphore, #tpu.memory_space<semaphore_mem>>)
      } else {
      }
    }
    %scan3A_41 = arith.constant 26 : i32
    %dma_wait3A = arith.constant 0 : i32
    %dma_wait3A_42 = arith.constant 0 : i32
    %dma_wait3A_43 = tpu.memref_slice %arg5[%dma_wait3A, %dma_wait3A_42] : memref<768x16384xf32, #tpu.memory_space<hbm>> -> memref<1x16384xf32, #tpu.memory_space<hbm>>
    %dma_wait3A_44 = arith.constant 0 : i32
    %dma_wait3A_45 = arith.constant 0 : i32
    %dma_wait3A_46 = tpu.memref_slice %dma_wait3A_43[%dma_wait3A_44, %dma_wait3A_45] : memref<1x16384xf32, #tpu.memory_space<hbm>> -> memref<1x4096xf32, #tpu.memory_space<hbm>>
    %dma_wait3A_47 = arith.constant 0 : i32
    %dma_wait3A_48 = arith.constant 0 : i32
    %dma_wait3A_49 = tpu.memref_slice %arg5[%dma_wait3A_47, %dma_wait3A_48] : memref<768x16384xf32, #tpu.memory_space<hbm>> -> memref<1x16384xf32, #tpu.memory_space<hbm>>
    %dma_wait3A_50 = arith.constant 0 : i32
    %dma_wait3A_51 = arith.constant 0 : i32
    %dma_wait3A_52 = tpu.memref_slice %dma_wait3A_49[%dma_wait3A_50, %dma_wait3A_51] : memref<1x16384xf32, #tpu.memory_space<hbm>> -> memref<1x4096xf32, #tpu.memory_space<hbm>>
    tpu.wait_dma2 semaphore(%arg14 : memref<!tpu.dma_semaphore, #tpu.memory_space<semaphore_mem>>) src(%arg10 : memref<1x4096xf32, #tpu.memory_space<vmem>>) dst(%dma_wait3A_52 : memref<1x4096xf32, #tpu.memory_space<hbm>>)
    %dma_wait3A_53 = arith.constant 0 : i32
    %dma_wait3A_54 = arith.constant 0 : i32
    %dma_wait3A_55 = tpu.memref_slice %arg5[%dma_wait3A_53, %dma_wait3A_54] : memref<768x16384xf32, #tpu.memory_space<hbm>> -> memref<1x16384xf32, #tpu.memory_space<hbm>>
    %dma_wait3A_56 = arith.constant 0 : i32
    %dma_wait3A_57 = arith.constant 0 : i32
    %dma_wait3A_58 = tpu.memref_slice %dma_wait3A_55[%dma_wait3A_56, %dma_wait3A_57] : memref<1x16384xf32, #tpu.memory_space<hbm>> -> memref<1x4096xf32, #tpu.memory_space<hbm>>
    %dma_wait3A_59 = arith.constant 0 : i32
    %dma_wait3A_60 = arith.constant 0 : i32
    %dma_wait3A_61 = tpu.memref_slice %arg5[%dma_wait3A_59, %dma_wait3A_60] : memref<768x16384xf32, #tpu.memory_space<hbm>> -> memref<1x16384xf32, #tpu.memory_space<hbm>>
    %dma_wait3A_62 = arith.constant 0 : i32
    %dma_wait3A_63 = arith.constant 0 : i32
    %dma_wait3A_64 = tpu.memref_slice %dma_wait3A_61[%dma_wait3A_62, %dma_wait3A_63] : memref<1x16384xf32, #tpu.memory_space<hbm>> -> memref<1x4096xf32, #tpu.memory_space<hbm>>
    tpu.wait_dma2 semaphore(%arg15 : memref<!tpu.dma_semaphore, #tpu.memory_space<semaphore_mem>>) src(%arg10 : memref<1x4096xf32, #tpu.memory_space<vmem>>) dst(%dma_wait3A_64 : memref<1x4096xf32, #tpu.memory_space<hbm>>)
    return
  }
}

</mosaic_0001>

<sc_bundles>
// kernel: kernel.3.cloned.1.call-start
scs
__scs_entry_jumppad:
0x0: {  	(pc) =	sbr.rel $0x88, $3  }
0x1: {  	(tag) =	ssettag $0x0;
	lr =	simm.s32 $0x1  }
0x2: {  	[smem:$0x3F9E] =	sst lr;
	_ =	strace $0xD0000000  }
0x3: {  	_ = 	snop  }
0x4: {  	_ = 	snop  }
0x5: {  	_ = 	snop  }
0x6: {  	_ = 	snop  }
0x7: {  	_ = 	snop  }
__scs_overlays_trampoline_lowered:
0x8: {  	[smem:$0x3FAD] =	sst s0  }
0x9: {  	[smem:$0x3FAE] =	sst s1  }
0xa: {  	[smem:$0x3FAF] =	sst s2  }
0xb: {  	[smem:$0x3FB0] =	sst s3  }
0xc: {  	[smem:$0x3FB1] =	sst s4  }
0xd: {  	[smem:$0x3FB2] =	sst s5  }
0xe: {  	[smem:$0x3FB3] =	sst s6  }
0xf: {  	[smem:$0x3FB4] =	sst s7  }
0x10: {  	[smem:$0x3FB5] =	sst s8  }
0x11: {  	[smem:$0x3FB6] =	sst s9;
	s0 =	simm.s32 @!p0 $0x0  }
0x12: {  	s1 =	sld [smem:$0x3F9C];
	s0 =	simm.s32 @p0 $0x1  }
0x13: {  	[smem:$0x3FB7] =	sst s0;
	s0 =	simm.s32 @!p1 $0x0  }
0x14: {  	s2 =	sld [smem:$0x3F9B];
	s0 =	simm.s32 @p1 $0x1  }
0x15: {  	[smem:$0x3FB8] =	sst s0;
	s0 =	simm.s32 @!p2 $0x0  }
0x16: {  	s3 =	sld [smem:$0x3FDB];
	s0 =	simm.s32 @p2 $0x1  }
0x17: {  	s4 =	simm.s32 $0x1BF5;
	[smem:$0x3FBA] =	sst s0  }
0x18: {  	s0 =	sld [smem:$0x3F9D];
	_ =	swait.ge [sflag:s4], $0x0  }
0x19: {  	s7 =	sld [smem:$0x3F9E]  }
0x1a: {  	s8 =	sadd.s32 $0xFFFFE003, lr  }
0x1b: {  	s9 =	sadd.s32 $0xFFFFFEF7, lr;
	s5 =	simm.s32 $0xFFFFFFFF;
	p2 =	slt.u32 s8, $0xFFFFF086  }
0x1c: {  	p1 =	slt.u32 s9, $0xF7A;
	s5 =	simm.s32 @!p2 $0x0  }
0x1d: {  	s5 =	simm.s32 @p1 $0x1;
	p0 =	seq.s32 s7, s2  }
0x1e: {  	s7 =	smul.u32 @!p0 $0xF7A, s2;
	p2 =	seq.s32 @!p0 s5, $0x0  }
0x1f: {  	s9 =	smul.u32 $0xF7A, s1;
	s8 =	simm.s32 @!p0 $0x1BF5;
	p2 =	por !p2, p0  }
0x20: {  	[sflag:s8] =	ssyncset.s32 @!p0 $0xFFFFF086;
	s6 =	sadd.s32 @!p0 s3, s7;
	s7 =	simm.s32 @!p0 $0x108  }
0x21: {  	s3 =	sadd.s32 s3, s9;
	s6 =	sadd.s32 @!p0 $0x88, s6;
	s7 =	simm.s32 @p2 $0x1082  }
0x22: {  	[simem:s7], [sflag:s8] =	dma.local @!p0 [hbm:s6], $0xF7A  }
0x23: {  	s9 =	sor.u32 $0xD0000000, s2;
	s6 =	simm.s32 $0x108;
	_ =	swait.ge @!p0 [sflag:s8], $0x0  }
0x24: {  	s3 =	sadd.s32 $0x88, s3;
	s6 =	simm.s32 @!p1 $0x1082;
	[sflag:s4] =	ssyncset.s32 $0xFFFFF086  }
0x25: {  	[simem:s6], [sflag:s4] =	dma.local [hbm:s3], $0xF7A  }
0x26: {  	[smem:$0x3F9E] =	sst s1;
	(tag) =	ssettag s2;
	_ =	strace s9  }
0x27: {  	s1 =	sld [smem:$0x3FAE]  }
0x28: {  	s2 =	sld [smem:$0x3FAF]  }
0x29: {  	s4 =	sld [smem:$0x3FB1]  }
0x2a: {  	p0 =	seq.s32 s5, $0x0;
	s5 =	sld [smem:$0x3FB2]  }
0x2b: {  	s6 =	sld [smem:$0x3FB3]  }
0x2c: {  	s7 =	sld [smem:$0x3FB4]  }
0x2d: {  	s3 =	simm.s32 $0x108;
	s8 =	sld [smem:$0x3FB5]  }
0x2e: {  	s3 =	simm.s32 @!p0 $0x1082;
	s9 =	sld [smem:$0x3FB6]  }
0x2f: {  	lr =	sadd.s32 s0, s3;
	s0 =	sld [smem:$0x3FAD]  }
0x30: {  	s3 =	sld [smem:$0x3FB0]  }
0x31: {  	[smem:$0x3FB9] =	sst s10  }
0x32: {  	s10 =	sld [smem:$0x3FB7];
	_ =	sdelay $0x3  }
0x33: {  	p0 =	seq.s32 s10, $0x1;
	s10 =	sld [smem:$0x3FB9];
	_ =	sdelay $0x3  }
0x34: {  	[smem:$0x3FB9] =	sst s10  }
0x35: {  	s10 =	sld [smem:$0x3FB8];
	_ =	sdelay $0x3  }
0x36: {  	p1 =	seq.s32 s10, $0x1;
	s10 =	sld [smem:$0x3FB9];
	_ =	sdelay $0x3  }
0x37: {  	[smem:$0x3FB9] =	sst s10  }
0x38: {  	s10 =	sld [smem:$0x3FBA]  }
0x39: {  	_ = 	snop;
	(pc) =	sbr.ind lr, $3  }
0x3a: {  	_ = 	snop  }
0x3b: {  	_ = 	snop  }
0x3c: {  	p2 =	seq.s32 s10, $0x1;
	s10 =	sld [smem:$0x3FB9]  }
0x3d: {  	_ =	shalt  }
0x3e: {  	_ =	shalt  }
0x3f: {  	_ =	shalt  }
0x40: {  	_ =	shalt  }
0x41: {  	_ =	shalt  }
0x42: {  	_ =	shalt  }
0x43: {  	_ =	shalt  }
0x44: {  	_ =	shalt  }
0x45: {  	_ =	shalt  }
0x46: {  	_ =	shalt  }
0x47: {  	_ =	shalt  }
0x48: {  	_ =	shalt  }
0x49: {  	_ =	shalt  }
0x4a: {  	_ =	shalt  }
0x4b: {  	_ =	shalt  }
0x4c: {  	_ =	shalt  }
0x4d: {  	_ =	shalt  }
0x4e: {  	_ =	shalt  }
0x4f: {  	_ =	shalt  }
0x50: {  	_ =	shalt  }
0x51: {  	_ =	shalt  }
0x52: {  	_ =	shalt  }
0x53: {  	_ =	shalt  }
0x54: {  	_ =	shalt  }
0x55: {  	_ =	shalt  }
0x56: {  	_ =	shalt  }
0x57: {  	_ =	shalt  }
0x58: {  	_ =	shalt  }
0x59: {  	_ =	shalt  }
0x5a: {  	_ =	shalt  }
0x5b: {  	_ =	shalt  }
0x5c: {  	_ =	shalt  }
0x5d: {  	_ =	shalt  }
0x5e: {  	_ =	shalt  }
0x5f: {  	_ =	shalt  }
0x60: {  	_ =	shalt  }
0x61: {  	_ =	shalt  }
0x62: {  	_ =	shalt  }
0x63: {  	_ =	shalt  }
0x64: {  	_ =	shalt  }
0x65: {  	_ =	shalt  }
0x66: {  	_ =	shalt  }
0x67: {  	_ =	shalt  }
0x68: {  	_ =	shalt  }
0x69: {  	_ =	shalt  }
0x6a: {  	_ =	shalt  }
0x6b: {  	_ =	shalt  }
0x6c: {  	_ =	shalt  }
0x6d: {  	_ =	shalt  }
0x6e: {  	_ =	shalt  }
0x6f: {  	_ =	shalt  }
0x70: {  	_ =	shalt  }
0x71: {  	_ =	shalt  }
0x72: {  	_ =	shalt  }
0x73: {  	_ =	shalt  }
0x74: {  	_ =	shalt  }
0x75: {  	_ =	shalt  }
0x76: {  	_ =	shalt  }
0x77: {  	_ =	shalt  }
0x78: {  	_ =	shalt  }
0x79: {  	_ =	shalt  }
0x7a: {  	_ =	shalt  }
0x7b: {  	_ =	shalt  }
0x7c: {  	_ =	shalt  }
0x7d: {  	_ =	shalt  }
0x7e: {  	_ =	shalt  }
0x7f: {  	_ =	shalt  }
0x80: {  	_ =	shalt  }
0x81: {  	_ =	shalt  }
0x82: {  	_ =	shalt  }
0x83: {  	_ =	shalt  }
0x84: {  	_ =	shalt  }
0x85: {  	_ =	shalt  }
0x86: {  	_ =	shalt  }
0x87: {  	_ =	shalt  }
.Lfunc_end0:
.L_simem_size_0:
called_computation_lowered:
.L_overlay_start_0:
0x88: {  	s2 =	sld [smem:$0x3FD9]  }
0x89: {  	s3 =	sld [smem:$0x3FFE];
	_ =	sdelay $0x1  }
0x8a: {  	s1 =	srdreg.scid  }
0x8b: {  	s0 =	sand.u32 $0x1, s1  }
0x8c: {  	s15 =	sshll.u32 s0, $0xA;
	s2 =	sadd.s32 s3, s2  }
0x8d: {  	s2 =	sadd.s32 s2, s15  }
0x8e: {  	[smem:$0x3FC5] =	sst s2  }
0x8f: {  	_ = 	snop  }
0x90: {  	s2 =	sld [smem:$0x3FD0]  }
0x91: {  	s16 =	sld [smem:$0x3FC9]  }
0x92: {  	s4 =	sld [smem:$0x3FC8]  }
0x93: {  	s6 =	simm.s32 $0xA;
	s7 =	simm.s32 $0x10;
	s5 =	sld [smem:$0x3FC7]  }
0x94: {  	[smem:s7], [sflag:s6] =	dma.local [hbm:s2], $0x1  }
0x95: {  	_ =	swait.eq [sflag:s6], $0x1  }
0x96: {  	[sflag:s6] =	ssyncset.done $0x0  }
0x97: {  	s17 =	sld [smem:$0x10];
	[sflag:s6] =	ssyncadd.s32 $0xFFFFFFFF  }
0x98: {  	s18 =	sld [smem:$0x11];
	(tm) =	ssettm $0x1  }
0x99: {  	s19 =	sld [smem:$0x3FFB];
	_ =	sdelay $0x3  }
0x9a: {  	_ =	strace s19  }
0x9b: {  	s7 =	sld [smem:$0x3FFC];
	_ =	sdelay $0x3  }
0x9c: {  	_ =	strace s7  }
0x9d: {  	s7 =	sld [smem:$0x3FFD];
	_ =	sdelay $0x3  }
0x9e: {  	_ =	strace s7  }
0x9f: {  	_ =	strace $0x8FFFFFFF  }
0xa0: {  	s20 =	sld [smem:$0x3FDB];
	_ =	sdelay $0x1  }
0xa1: {  	s8 =	simm.s32 $_scs_section_size  }
0xa2: {  	s9 =	simm.s32 $_size__tile_overlayer_lowered;
	s10 =	simm.s32 $_tile_overlayer_lowered  }
0xa3: {  	s23 =	simm.s32 $0x1BFF;
	s22 =	sshll.u32 s10, $0x1;
	s7 =	sadd.s32 s8, s20  }
0xa4: {  	s11 =	simm.s32 $0x0;
	s21 =	sshll.u32 s9, $0x1;
	s9 =	sadd.s32 s22, s7  }
0xa5: {  	[timem:s11], [sflag:s23] =	dma.local [hbm:s9], s21  }
0xa6: {  	_ =	swait.ge [sflag:s23], s21  }
0xa7: {  	s8 =	ssub.s32 $0x0, s21;
	[sflag:s23] =	ssyncset.done $0x0  }
0xa8: {  	[sflag:s23] =	ssyncadd.s32 s8;
	_ =	sdelay $0x1  }
0xa9: {  	s24 =	simm.s32 $0x1B8B  }
0xaa: {  	_ =	swait.ge [sflag:s24], $0x1  }
0xab: {  	[sflag:s24] =	ssyncset.done $0x0  }
0xac: {  	s25 =	simm.s32 $0x1B8E;
	[sflag:s24] =	ssyncadd.s32 $0xFFFFFFFF  }
0xad: {  	s26 =	simm.s32 $execute0_lowered;
	[smem:$0x3FD2] =	sst s25  }
0xae: {  	s8 =	sshll.u32 s26, $0x1;
	_ =	strace $0x80000046;
	[dreg:$0x1] =	wrdreg $0xFFFFFFFF  }
0xaf: {  	s28 =	simm.s32 $_size_execute0_lowered;
	s7 =	sadd.s32 s7, s8;
	[dreg:$0x0] =	wrdreg $0x0  }
0xb0: {  	s8 =	sshll.u32 s28, $0x1;
	[dreg:$0x2] =	wrdreg s7  }
0xb1: {  	[dreg:$0x3] =	wrdreg s8  }
0xb2: {  	[dreg:$0x4] =	wrdreg $0xC0  }
0xb3: {  	_ =	task [dreg:s11], $0x5FFFF  }
0xb4: {  	[dreg:$0x1] =	wrdreg $0xFFFFFFFF  }
0xb5: {  	[dreg:$0x0] =	wrdreg $0x60  }
0xb6: {  	[dreg:$0x2] =	wrdreg s16  }
0xb7: {  	[dreg:$0x3] =	wrdreg s4  }
0xb8: {  	[dreg:$0x4] =	wrdreg s5  }
0xb9: {  	[dreg:$0x5] =	wrdreg s17  }
0xba: {  	[dreg:$0x6] =	wrdreg s18  }
0xbb: {  	[dreg:$0x7] =	wrdreg $0x9  }
0xbc: {  	_ =	task.clear_ibuf [dreg:s11], $0x8FFFF;
	_ =	strace $0x90000046  }
0xbd: {  	s29 =	simm.s32 $0x9;
	_ =	strace $0x80000048  }
0xbe: {  	_ =	swait.ge [sflag:s29], $0x1  }
0xbf: {  	[sflag:s29] =	ssyncadd.s32 $0xFFFFFFFF  }
0xc0: {  	_ =	strace $0x90000048  }
0xc1: {  	_ =	sfence  }
0xc2: {  	s30 =	sld [smem:$0x0];
	_ =	sdelay $0x2  }
0xc3: {  	s31 =	sshll.u32 s1, $0xD;
	s1 =	sshrl.u32 s1, $0x2  }
0xc4: {  	s3 =	sand.u32 $0x4000, s31;
	s1 =	sadd.s32 s1, s30  }
0xc5: {  	s0 =	sor.u32 s3, s0;
	s1 =	sshll.u32 s1, $0x11  }
0xc6: {  	s0 =	sor.u32 s1, s0  }
0xc7: {  	s0 =	sadd.s32 $0x8F2B, s0  }
0xc8: {  	[sflag:s0] =	ssyncadd.remote.s32 $0x1  }
0xc9: {  	_ =	sfence.sel $0xFFFF  }
0xca: {  	[dreg:$0x0] =	wrdreg $0xFFFFFFFF;
	(pc) =	sbr.abs _section_cstart, $3  }
0xcb: {  	[dreg:$0x1] =	wrdreg $0xFFFFFFFF  }
0xcc: {  	_ =	task.clear_ibuf [dreg:s11], $0x2FFFF;
	_ =	strace $0x9FFFFFFF  }
0xcd: {  	(tm) =	ssettm $0x7FFFFFFF  }
tec
execute0_lowered:
.L_overlay_start_1:
0x0: {  	(tag) =	ssettag $0x1  }
0x1: {  	s1 =	rddreg [dreg:$0x0]  }
0x2: {  	s2 =	rddreg [dreg:$0x1]  }
0x3: {  	s3 =	rddreg [dreg:$0x2]  }
0x4: {  	s4 =	srdreg.scid;
	s5 =	rddreg [dreg:$0x3]  }
0x5: {  	s0 =	stileid.u32;
	s6 =	rddreg [dreg:$0x4]  }
0x6: {  	s7 =	simm.s32 $0x0;
	s15 =	simm.s32 $0x400;
	s16 =	simm.s32 $0x4000  }
0x7: {  	s18 =	simm.s32 $0x10380;
	s19 =	simm.s32 $0x1;
	s20 =	simm.s32 $0x1C700  }
0x8: {  	s21 =	simm.s32 $0x1D700;
	s22 =	simm.s32 $0x2;
	s23 =	simm.s32 $0x3  }
0x9: {  	s24 =	simm.s32 $0x4;
	s9 =	sand.u32 $0x1, s4;
	s26 =	sshll.u32 s0, $0x1  }
0xa: {  	s25 =	simm.s32 $0x0;
	s10 =	sor.u32 s9, s26;
	s9 =	ssub.s32 $0x2, s9  }
0xb: {  	s29 =	sshrl.u32 s0, $0x1;
	s8 =	smul.u32 $0x18, s10;
	s11 =	sshrl.u32 s9, $0x1  }
0xc: {  	s4 =	rddreg [dreg:$0x5];
	s13 =	ssub.s32 s9, s11;
	s11 =	smul.u32 $0xC3800, s29  }
.Ltmp0:
0xd: {  	[smem:$0x7FF] =	sst s7;
	s12 =	sshrl.u32 s8, $0x3;
	(pc) =	sbr.rel .LBB2_1-.Ltmp0, $4  }
0xe: {  	v0 =	vlaneseq.u32;
	s30 =	sshll.u32 s10, $0x1;
	s14 =	sshll.u32 s10, $0x8;
	s28 =	smul.u32 $0x18700, s12  }
0xf: {  	v1 =	vor.u32 $0x10, v0;
	_ =	strace $0x80000047;
	s10 =	sadd.s32 $0xFFFFFFE8, s30;
	s31 =	sand.u32 $0x300, s14  }
0x10: {  	v2 =	vor.u32 $0x20, v0;
	v3 =	vor.u32 $0x30, v0;
	v4 =	vor.u32 $0x40, v0;
	s14 =	simm.s32 $0x80;
	s11 =	sor.u32 s11, s31;
	s9 =	sadd.s32 s1, s28  }
0x11: {  	v5 =	vor.u32 $0x50, v0;
	v6 =	vor.u32 $0x60, v0;
	v7 =	vor.u32 $0x70, v0;
	s12 =	smax.u32 s13, $0x1;
	s13 =	simm.s32 $0x5;
	s17 =	sadd.s32 $0xC380, s9  }
.LBB2_26:
0x12: {  	s25 =	sadd.s32 $0x1, s25  }
0x13: {  	_ =	swait.ge [sflag:s23], $0x1000;
	p0 =	sne.s32 s25, s12  }
.Ltmp1:
0x14: {  	[sflag:s23] =	ssyncset.done $0x0;
	(pc) =	sbr.rel @!p0 .LBB2_27-.Ltmp1, $4  }
0x15: {  	[sflag:s23] =	ssyncadd.s32 $0xFFFFF000  }
0x16: {  	_ =	swait.ge [sflag:s24], $0x1000  }
0x17: {  	[sflag:s24] =	ssyncset.done $0x0  }
0x18: {  	[sflag:s24] =	ssyncadd.s32 $0xFFFFF000  }
.LBB2_1:
0x19: {  	[tilespmem:s7], [sflag:$0x5] =	stream.linear.gather [hbm4b:s3+s7], $0x4000, $0x38;
	[tilespmem:$0x1E700] =	vst v63  }
0x1a: {  	_ =	swait.ge [sflag:s13], $0x4000  }
.Ltmp2:
0x1b: {  	[sflag:s13] =	ssyncset.done $0x0;
	(pc) =	sbr.rel .LBB2_2-.Ltmp2, $4  }
0x1c: {  	[sflag:s13] =	ssyncadd.s32 $0xFFFFC000  }
0x1d: {  	[tilespmem:s16], [sflag:$0x1] =	stream.strided.gather [hbm4b:s9+s14], $0xC380, s15, s14, $0x38;
	[tilespmem:$0x1E700] =	vst v63  }
0x1e: {  	s26 =	simm.s32 $0x0  }
0x1f: {  	[tilespmem:s18], [sflag:$0x2] =	stream.strided.gather [hbm4b:s17+s14], $0xC380, s15, s14, $0x38;
	[tilespmem:$0x1E700] =	vst v63  }
.LBB2_20:
0x20: {  	s28 =	simm.s32 $0x18;
	s29 =	simm.s32 $0x0  }
.LBB2_23:
0x21: {  	s26 =	sor.u32 s11, s29  }
0x22: {  	s26 =	sshrl.u32 s26, $0x3  }
0x23: {  	s26 =	sadd.s32 s2, s26  }
0x24: {  	[tilespmem:s16], [sflag:$0x1] =	stream.strided.gather [hbm4b:s26+s14], $0xC380, s15, s14, $0x38;
	[tilespmem:$0x1E700] =	vst v63  }
.LBB2_24:
0x25: {  	s26 =	sadd.s32 $0xC380, s26  }
0x26: {  	[tilespmem:s18], [sflag:$0x2] =	stream.strided.gather [hbm4b:s26+s14], $0xC380, s15, s14, $0x38;
	[tilespmem:$0x1E700] =	vst v63  }
0x27: {  	s26 =	smov.u32 s28  }
.LBB2_25:
0x28: {  	p0 =	slt.u32 s26, $0x1A  }
.Ltmp3:
0x29: {  	_ = 	snop;
	(pc) =	sbr.rel @!p0 .LBB2_26-.Ltmp3, $1  }
0x2a: {  	_ =	sdelay $0x3  }
.LBB2_2:
0x2b: {  	_ =	swait.ge [sflag:s19], $0xC380  }
0x2c: {  	p0 =	seq.s32 s26, $0x0;
	[sflag:s19] =	ssyncset.done $0x0  }
0x2d: {  	s28 =	simm.s32 @!p0 $0x3;
	[sflag:s19] =	ssyncadd.s32 $0xFFFF3C80  }
0x2e: {  	_ =	swait.ge @!p0 [sflag:s28], $0x1000  }
0x2f: {  	[sflag:s28] =	ssyncset.done @!p0 $0x0  }
0x30: {  	[sflag:s28] =	ssyncadd.s32 @!p0 $0xFFFFF000;
	s28 =	simm.s32 $0x40  }
0x31: {  	v8 =	vld [tilespmem:s28+$0x30]  }
0x32: {  	v9 =	vld [tilespmem:s28+$0xFFFFFFD0]  }
0x33: {  	v12 =	vld [tilespmem:s28+$0x0]  }
0x34: {  	v10 =	vld [tilespmem:s28+$0xFFFFFFE0]  }
0x35: {  	v11 =	vld [tilespmem:s28+$0xFFFFFFF0]  }
0x36: {  	v13 =	vld [tilespmem:s28+$0x10];
	vm6 =	vlt.s32 v8, $0xC380  }
0x37: {  	v14 =	vld [tilespmem:s28+$0x20];
	v8 =	vnsel vm6, $0x0, v8  }
0x38: {  	s29 =	simm.s32 $0xC0;
	v15 =	vld [tilespmem:s28+$0xFFFFFFC0];
	vm8 =	vlt.s32 v12, $0xC380  }
0x39: {  	v19 =	vld [tilespmem:s29+$0xFFFFFFD0];
	v12 =	vnsel vm8, $0x0, v12  }
0x3a: {  	v21 =	vld [tilespmem:s29+$0xFFFFFFE0]  }
0x3b: {  	s28 =	simm.s32 $0x0;
	v22 =	vld [tilespmem:s29+$0xFFFFFFF0];
	vm7 =	vlt.s32 v9, $0xC380  }
0x3c: {  	vm4 =	vlt.s32 v10, $0xC380;
	vm3 =	vlt.s32 v11, $0xC380;
	v16 =	vld.idx.msk [tilespmem:v8+s16+$0x0], vm6;
	v8 =	vmov s28  }
0x3d: {  	v29 =	vld [tilespmem:s29+$0x10];
	vm0 =	vlt.s32 v13, $0xC380;
	v9 =	vnsel vm7, $0x0, v9;
	v8 =	vshrl.u32 v8, $0x7  }
0x3e: {  	vm11 =	vlt.s32 v14, $0xC380;
	v10 =	vnsel vm4, $0x0, v10;
	v18 =	vld.idx.msk [tilespmem:v12+s16+$0x0], vm8;
	v8 =	vshll.u32 v8, $0x7  }
0x3f: {  	vm1 =	vlt.s32 v15, $0xC380;
	v11 =	vnsel vm3, $0x0, v11;
	v12 =	vld [tilespmem:s29+$0x30];
	v8 =	vbroadcast v8, $0x0  }
0x40: {  	v26 =	vld [tilespmem:s29+$0x0];
	vm2 =	vlt.s32 v19, $0xC380;
	vm5 =	vlt.s32 v21, $0xC380;
	vm10 =	vmmov vm1  }
0x41: {  	v30 =	vld [tilespmem:s29+$0x20];
	v20 =	vnsel vm11, $0x0, v14;
	v15 =	vnsel vm1, $0x0, v15;
	v14 =	vor.u32 v7, v8  }
0x42: {  	vm9 =	vlt.s32 v29, $0xC380;
	v21 =	vnsel vm5, $0x0, v21;
	v17 =	vld.idx.msk [tilespmem:v9+s16+$0x0], vm7;
	v23 =	vor.u32 v1, v8  }
0x43: {  	v13 =	vnsel vm0, $0x0, v13;
	vm0 =	vmmov vm0;
	v10 =	vld.idx.msk [tilespmem:v10+s16+$0x0], vm4;
	v24 =	vor.u32 v2, v8  }
0x44: {  	v19 =	vnsel vm2, $0x0, v19;
	v11 =	vld.idx.msk [tilespmem:v11+s16+$0x0], vm3;
	s28 =	simm.s32 $0x80;
	v25 =	vor.u32 v3, v8;
	vm1 =	vlt.s32 v12, $0xC380  }
0x45: {  	v32 =	vld [tilespmem:s29+$0xFFFFFFC0];
	v27 =	vor.u32 v4, v8;
	v31 =	vnsel vm1, $0x0, v12;
	v12 =	vmov s28  }
0x46: {  	v33 =	vld.idx.msk [tilespmem:v15+s16+$0x0], vm10;
	v28 =	vor.u32 v0, v8;
	v12 =	vshrl.u32 v12, $0x7;
	[tilespmem:v14+s20+$0x0] =	vst.idx.msk vm6, v16;
	vm6 =	vlt.s32 v22, $0xC380  }
0x47: {  	v21 =	vld.idx.msk [tilespmem:v21+s16+$0x0], vm5;
	v12 =	vshll.u32 v12, $0x7;
	[tilespmem:v23+s20+$0x0] =	vst.idx.msk vm7, v17;
	vm7 =	vlt.s32 v26, $0xC380;
	v17 =	vnsel vm6, $0x0, v22  }
0x48: {  	v9 =	vor.u32 v5, v8;
	v34 =	vbroadcast v12, $0x0;
	v12 =	vld.idx.msk [tilespmem:v20+s16+$0x0], vm11;
	[tilespmem:v24+s20+$0x0] =	vst.idx.msk vm4, v10;
	v23 =	vnsel vm7, $0x0, v26  }
0x49: {  	v8 =	vor.u32 v6, v8;
	v14 =	vld.idx.msk [tilespmem:v13+s16+$0x0], vm0;
	[tilespmem:v25+s20+$0x0] =	vst.idx.msk vm3, v11;
	vm3 =	vmmov vm11;
	v10 =	vnsel vm9, $0x0, v29  }
0x4a: {  	vm4 =	vlt.s32 v30, $0xC380;
	[tilespmem:v27+s20+$0x0] =	vst.idx.msk vm8, v18;
	vm11 =	vlt.s32 v32, $0xC380;
	v15 =	vld.idx.msk [tilespmem:v31+s16+$0x0], vm1;
	v20 =	vor.u32 v7, v34  }
0x4b: {  	v16 =	vld.idx.msk [tilespmem:v19+s16+$0x0], vm2;
	[tilespmem:v28+s20+$0x0] =	vst.idx.msk vm10, v33;
	v11 =	vnsel vm4, $0x0, v30;
	v13 =	vnsel vm11, $0x0, v32;
	v25 =	vor.u32 v1, v34  }
0x4c: {  	v24 =	vor.u32 v0, v34;
	v26 =	vor.u32 v2, v34;
	v22 =	vor.u32 v3, v34;
	v19 =	vld.idx.msk [tilespmem:v17+s16+$0x0], vm6  }
0x4d: {  	s30 =	simm.s32 $0x140;
	s29 =	simm.s32 $0x8;
	v18 =	vor.u32 v4, v34;
	v27 =	vor.u32 v5, v34;
	v23 =	vld.idx.msk [tilespmem:v23+s16+$0x0], vm7;
	v17 =	vor.u32 v6, v34  }
.LBB2_3:
0x4e: {  	v28 =	vld [tilespmem:s30+$0x30];
	s29 =	sadd.s32 $0x8, s29;
	[tilespmem:v9+s20+$0x0] =	vst.idx.msk vm0, v14;
	v29 =	vmovc v24;
	v9 =	vmov v27;
	vm0 =	vmmov vm9;
	vm8 =	vmmov vm11  }
0x4f: {  	v14 =	vld [tilespmem:s30+$0xFFFFFFD0];
	p1 =	slt.u32 s29, $0xF8;
	[tilespmem:v20+s20+$0x0] =	vst.idx.msk vm1, v15  }
0x50: {  	v15 =	vld [tilespmem:s30+$0xFFFFFFE0];
	[tilespmem:v25+s20+$0x0] =	vst.idx.msk vm2, v16  }
0x51: {  	v16 =	vld [tilespmem:s30+$0xFFFFFFF0];
	[tilespmem:v26+s20+$0x0] =	vst.idx.msk vm5, v21  }
0x52: {  	v20 =	vld [tilespmem:s30+$0x0];
	[tilespmem:v22+s20+$0x0] =	vst.idx.msk vm6, v19  }
0x53: {  	v19 =	vld [tilespmem:s30+$0x10];
	vm1 =	vlt.s32 v28, $0xC380;
	[tilespmem:v18+s20+$0x0] =	vst.idx.msk vm7, v23  }
0x54: {  	s28 =	sadd.s32 $0x80, s28;
	vm2 =	vlt.s32 v14, $0xC380;
	v18 =	vld [tilespmem:s30+$0x20];
	v21 =	vnsel vm1, $0x0, v28;
	[tilespmem:v8+s20+$0x0] =	vst.idx.msk vm3, v12;
	v8 =	vmovc v17;
	vm3 =	vmmov vm4  }
0x55: {  	v12 =	vmov s28;
	v17 =	vld [tilespmem:s30+$0xFFFFFFC0];
	v22 =	vnsel vm2, $0x0, v14;
	vm5 =	vlt.s32 v15, $0xC380  }
0x56: {  	v12 =	vshrl.u32 v12, $0x7;
	v23 =	vnsel vm5, $0x0, v15;
	vm6 =	vlt.s32 v16, $0xC380;
	v28 =	vld.idx.msk [tilespmem:v13+s16+$0x0], vm11  }
0x57: {  	v12 =	vshll.u32 v12, $0x7;
	v27 =	vnsel vm6, $0x0, v16;
	vm7 =	vlt.s32 v20, $0xC380;
	v14 =	vld.idx.msk [tilespmem:v10+s16+$0x0], vm9  }
0x58: {  	v30 =	vbroadcast v12, $0x0;
	v31 =	vnsel vm7, $0x0, v20;
	vm9 =	vlt.s32 v19, $0xC380;
	v12 =	vld.idx.msk [tilespmem:v11+s16+$0x0], vm4  }
.Ltmp4:
0x59: {  	v10 =	vnsel vm9, $0x0, v19;
	vm4 =	vlt.s32 v18, $0xC380;
	v15 =	vld.idx.msk [tilespmem:v21+s16+$0x0], vm1;
	(pc) =	sbr.rel @p1 .LBB2_3-.Ltmp4, $4  }
0x5a: {  	v20 =	vor.u32 v7, v30;
	vm11 =	vlt.s32 v17, $0xC380;
	v16 =	vld.idx.msk [tilespmem:v22+s16+$0x0], vm2;
	v11 =	vnsel vm4, $0x0, v18  }
0x5b: {  	v24 =	vor.u32 v0, v30;
	v25 =	vor.u32 v1, v30;
	v13 =	vnsel vm11, $0x0, v17;
	v21 =	vld.idx.msk [tilespmem:v23+s16+$0x0], vm5  }
0x5c: {  	v26 =	vor.u32 v2, v30;
	v22 =	vor.u32 v3, v30;
	v18 =	vor.u32 v4, v30;
	v19 =	vld.idx.msk [tilespmem:v27+s16+$0x0], vm6  }
0x5d: {  	s30 =	sadd.s32 $0x80, s30;
	v17 =	vor.u32 v6, v30;
	v27 =	vor.u32 v5, v30;
	v23 =	vld.idx.msk [tilespmem:v31+s16+$0x0], vm7;
	[tilespmem:v29+s20+$0x0] =	vst.idx.msk vm8, v28  }
0x5e: {  	_ =	sdelay $0x2  }
0x5f: {  	vm9 =	vmmov vm9;
	_ =	sdelay $0x1  }
0x60: {  	[tilespmem:v9+s20+$0x0] =	vst.idx.msk vm0, v14  }
0x61: {  	[tilespmem:v20+s20+$0x0] =	vst.idx.msk vm1, v15  }
0x62: {  	v9 =	vld.idx.msk [tilespmem:v13+s16+$0x0], vm11;
	[tilespmem:v8+s20+$0x0] =	vst.idx.msk vm3, v12  }
0x63: {  	v11 =	vld.idx.msk [tilespmem:v11+s16+$0x0], vm4;
	[tilespmem:v25+s20+$0x0] =	vst.idx.msk vm2, v16  }
0x64: {  	[tilespmem:v26+s20+$0x0] =	vst.idx.msk vm5, v21;
	v10 =	vld.idx.msk [tilespmem:v10+s16+$0x0], vm9  }
0x65: {  	[tilespmem:v22+s20+$0x0] =	vst.idx.msk vm6, v19  }
0x66: {  	[tilespmem:v18+s20+$0x0] =	vst.idx.msk vm7, v23  }
0x67: {  	[tilespmem:v24+s20+$0x0] =	vst.idx.msk vm11, v9  }
0x68: {  	[tilespmem:v17+s20+$0x0] =	vst.idx.msk vm4, v11  }
0x69: {  	s28 =	simm.s32 @!p0 $0x4;
	[tilespmem:v27+s20+$0x0] =	vst.idx.msk vm9, v10  }
0x6a: {  	_ =	swait.ge @!p0 [sflag:s28], $0x1000  }
0x6b: {  	[sflag:s28] =	ssyncset.done @!p0 $0x0  }
0x6c: {  	[sflag:s28] =	ssyncadd.s32 @!p0 $0xFFFFF000;
	s28 =	simm.s32 $0x1070  }
0x6d: {  	v8 =	vld [tilespmem:s28+$0x0]  }
0x6e: {  	v9 =	vld [tilespmem:s28+$0xFFFFFFA0]  }
0x6f: {  	v12 =	vld [tilespmem:s28+$0xFFFFFFD0]  }
0x70: {  	v10 =	vld [tilespmem:s28+$0xFFFFFFB0]  }
0x71: {  	v11 =	vld [tilespmem:s28+$0xFFFFFFC0]  }
0x72: {  	v13 =	vld [tilespmem:s28+$0xFFFFFFE0];
	vm6 =	vlt.s32 v8, $0xC380  }
0x73: {  	vm8 =	vmmov vm11;
	v14 =	vld [tilespmem:s28+$0xFFFFFFF0];
	v8 =	vnsel vm6, $0x0, v8  }
0x74: {  	s29 =	simm.s32 $0x10F0;
	v15 =	vld [tilespmem:s28+$0xFFFFFF90];
	vm8 =	vlt.s32 v12, $0xC380  }
0x75: {  	v19 =	vld [tilespmem:s29+$0xFFFFFFA0];
	v12 =	vnsel vm8, $0x0, v12  }
0x76: {  	v21 =	vld [tilespmem:s29+$0xFFFFFFB0]  }
0x77: {  	vm0 =	vmmov vm4;
	s28 =	simm.s32 $0x0;
	v22 =	vld [tilespmem:s29+$0xFFFFFFC0];
	vm7 =	vlt.s32 v9, $0xC380  }
0x78: {  	vm4 =	vlt.s32 v10, $0xC380;
	vm3 =	vlt.s32 v11, $0xC380;
	v16 =	vld.idx.msk [tilespmem:v8+s16+$0x0], vm6;
	v8 =	vmov s28  }
0x79: {  	v29 =	vld [tilespmem:s29+$0xFFFFFFE0];
	vm0 =	vlt.s32 v13, $0xC380;
	v9 =	vnsel vm7, $0x0, v9;
	v8 =	vshrl.u32 v8, $0x7  }
0x7a: {  	vm11 =	vlt.s32 v14, $0xC380;
	v10 =	vnsel vm4, $0x0, v10;
	v18 =	vld.idx.msk [tilespmem:v12+s16+$0x0], vm8;
	v8 =	vshll.u32 v8, $0x7  }
0x7b: {  	vm1 =	vlt.s32 v15, $0xC380;
	v11 =	vnsel vm3, $0x0, v11;
	v12 =	vld [tilespmem:s29+$0x0];
	v8 =	vbroadcast v8, $0x0  }
0x7c: {  	v26 =	vld [tilespmem:s29+$0xFFFFFFD0];
	vm2 =	vlt.s32 v19, $0xC380;
	vm5 =	vlt.s32 v21, $0xC380;
	vm10 =	vmmov vm1  }
0x7d: {  	v30 =	vld [tilespmem:s29+$0xFFFFFFF0];
	v20 =	vnsel vm11, $0x0, v14;
	v15 =	vnsel vm1, $0x0, v15;
	v14 =	vor.u32 v7, v8  }
0x7e: {  	vm9 =	vlt.s32 v29, $0xC380;
	v21 =	vnsel vm5, $0x0, v21;
	v17 =	vld.idx.msk [tilespmem:v9+s16+$0x0], vm7;
	v23 =	vor.u32 v1, v8  }
0x7f: {  	v13 =	vnsel vm0, $0x0, v13;
	vm0 =	vmmov vm0;
	v10 =	vld.idx.msk [tilespmem:v10+s16+$0x0], vm4;
	v24 =	vor.u32 v2, v8  }
0x80: {  	v19 =	vnsel vm2, $0x0, v19;
	v11 =	vld.idx.msk [tilespmem:v11+s16+$0x0], vm3;
	s28 =	simm.s32 $0x80;
	v25 =	vor.u32 v3, v8;
	vm1 =	vlt.s32 v12, $0xC380  }
0x81: {  	v32 =	vld [tilespmem:s29+$0xFFFFFF90];
	v27 =	vor.u32 v4, v8;
	v31 =	vnsel vm1, $0x0, v12;
	v12 =	vmov s28  }
0x82: {  	v33 =	vld.idx.msk [tilespmem:v15+s16+$0x0], vm10;
	v28 =	vor.u32 v0, v8;
	v12 =	vshrl.u32 v12, $0x7;
	[tilespmem:v14+s21+$0x0] =	vst.idx.msk vm6, v16;
	vm6 =	vlt.s32 v22, $0xC380  }
0x83: {  	v21 =	vld.idx.msk [tilespmem:v21+s16+$0x0], vm5;
	v12 =	vshll.u32 v12, $0x7;
	[tilespmem:v23+s21+$0x0] =	vst.idx.msk vm7, v17;
	vm7 =	vlt.s32 v26, $0xC380;
	v17 =	vnsel vm6, $0x0, v22  }
0x84: {  	v9 =	vor.u32 v5, v8;
	v34 =	vbroadcast v12, $0x0;
	v12 =	vld.idx.msk [tilespmem:v20+s16+$0x0], vm11;
	[tilespmem:v24+s21+$0x0] =	vst.idx.msk vm4, v10;
	v23 =	vnsel vm7, $0x0, v26  }
0x85: {  	v8 =	vor.u32 v6, v8;
	v14 =	vld.idx.msk [tilespmem:v13+s16+$0x0], vm0;
	[tilespmem:v25+s21+$0x0] =	vst.idx.msk vm3, v11;
	vm3 =	vmmov vm11;
	v10 =	vnsel vm9, $0x0, v29  }
0x86: {  	vm4 =	vlt.s32 v30, $0xC380;
	[tilespmem:v27+s21+$0x0] =	vst.idx.msk vm8, v18;
	vm11 =	vlt.s32 v32, $0xC380;
	v15 =	vld.idx.msk [tilespmem:v31+s16+$0x0], vm1;
	v20 =	vor.u32 v7, v34  }
0x87: {  	v16 =	vld.idx.msk [tilespmem:v19+s16+$0x0], vm2;
	[tilespmem:v28+s21+$0x0] =	vst.idx.msk vm10, v33;
	v11 =	vnsel vm4, $0x0, v30;
	v13 =	vnsel vm11, $0x0, v32;
	v25 =	vor.u32 v1, v34  }
0x88: {  	v24 =	vor.u32 v0, v34;
	v26 =	vor.u32 v2, v34;
	v22 =	vor.u32 v3, v34;
	v19 =	vld.idx.msk [tilespmem:v17+s16+$0x0], vm6  }
0x89: {  	s30 =	simm.s32 $0x1170;
	s29 =	simm.s32 $0x8;
	v18 =	vor.u32 v4, v34;
	v27 =	vor.u32 v5, v34;
	v23 =	vld.idx.msk [tilespmem:v23+s16+$0x0], vm7;
	v17 =	vor.u32 v6, v34  }
.LBB2_5:
0x8a: {  	v28 =	vld [tilespmem:s30+$0x0];
	s29 =	sadd.s32 $0x8, s29;
	[tilespmem:v9+s21+$0x0] =	vst.idx.msk vm0, v14;
	v29 =	vmovc v24;
	v9 =	vmov v27;
	vm0 =	vmmov vm9;
	vm8 =	vmmov vm11  }
0x8b: {  	v14 =	vld [tilespmem:s30+$0xFFFFFFA0];
	p0 =	slt.u32 s29, $0xF8;
	[tilespmem:v20+s21+$0x0] =	vst.idx.msk vm1, v15  }
0x8c: {  	v15 =	vld [tilespmem:s30+$0xFFFFFFB0];
	[tilespmem:v25+s21+$0x0] =	vst.idx.msk vm2, v16  }
0x8d: {  	v16 =	vld [tilespmem:s30+$0xFFFFFFC0];
	[tilespmem:v26+s21+$0x0] =	vst.idx.msk vm5, v21  }
0x8e: {  	v20 =	vld [tilespmem:s30+$0xFFFFFFD0];
	[tilespmem:v22+s21+$0x0] =	vst.idx.msk vm6, v19  }
0x8f: {  	v19 =	vld [tilespmem:s30+$0xFFFFFFE0];
	vm1 =	vlt.s32 v28, $0xC380;
	[tilespmem:v18+s21+$0x0] =	vst.idx.msk vm7, v23  }
0x90: {  	s28 =	sadd.s32 $0x80, s28;
	vm2 =	vlt.s32 v14, $0xC380;
	v18 =	vld [tilespmem:s30+$0xFFFFFFF0];
	v21 =	vnsel vm1, $0x0, v28;
	[tilespmem:v8+s21+$0x0] =	vst.idx.msk vm3, v12;
	v8 =	vmovc v17;
	vm3 =	vmmov vm4  }
0x91: {  	v12 =	vmov s28;
	v17 =	vld [tilespmem:s30+$0xFFFFFF90];
	v22 =	vnsel vm2, $0x0, v14;
	vm5 =	vlt.s32 v15, $0xC380  }
0x92: {  	v12 =	vshrl.u32 v12, $0x7;
	v23 =	vnsel vm5, $0x0, v15;
	vm6 =	vlt.s32 v16, $0xC380;
	v28 =	vld.idx.msk [tilespmem:v13+s16+$0x0], vm11  }
0x93: {  	v12 =	vshll.u32 v12, $0x7;
	v27 =	vnsel vm6, $0x0, v16;
	vm7 =	vlt.s32 v20, $0xC380;
	v14 =	vld.idx.msk [tilespmem:v10+s16+$0x0], vm9  }
0x94: {  	v30 =	vbroadcast v12, $0x0;
	v31 =	vnsel vm7, $0x0, v20;
	vm9 =	vlt.s32 v19, $0xC380;
	v12 =	vld.idx.msk [tilespmem:v11+s16+$0x0], vm4  }
.Ltmp5:
0x95: {  	v10 =	vnsel vm9, $0x0, v19;
	vm4 =	vlt.s32 v18, $0xC380;
	v15 =	vld.idx.msk [tilespmem:v21+s16+$0x0], vm1;
	(pc) =	sbr.rel @p0 .LBB2_5-.Ltmp5, $4  }
0x96: {  	v20 =	vor.u32 v7, v30;
	vm11 =	vlt.s32 v17, $0xC380;
	v16 =	vld.idx.msk [tilespmem:v22+s16+$0x0], vm2;
	v11 =	vnsel vm4, $0x0, v18  }
0x97: {  	v24 =	vor.u32 v0, v30;
	v25 =	vor.u32 v1, v30;
	v13 =	vnsel vm11, $0x0, v17;
	v21 =	vld.idx.msk [tilespmem:v23+s16+$0x0], vm5  }
0x98: {  	v26 =	vor.u32 v2, v30;
	v22 =	vor.u32 v3, v30;
	v18 =	vor.u32 v4, v30;
	v19 =	vld.idx.msk [tilespmem:v27+s16+$0x0], vm6  }
0x99: {  	s30 =	sadd.s32 $0x80, s30;
	v17 =	vor.u32 v6, v30;
	v27 =	vor.u32 v5, v30;
	v23 =	vld.idx.msk [tilespmem:v31+s16+$0x0], vm7;
	[tilespmem:v29+s21+$0x0] =	vst.idx.msk vm8, v28  }
0x9a: {  	_ =	sdelay $0x2  }
0x9b: {  	vm9 =	vmmov vm9;
	_ =	sdelay $0x1  }
0x9c: {  	[tilespmem:v9+s21+$0x0] =	vst.idx.msk vm0, v14  }
0x9d: {  	[tilespmem:v20+s21+$0x0] =	vst.idx.msk vm1, v15  }
0x9e: {  	v9 =	vld.idx.msk [tilespmem:v13+s16+$0x0], vm11;
	[tilespmem:v8+s21+$0x0] =	vst.idx.msk vm3, v12  }
0x9f: {  	v11 =	vld.idx.msk [tilespmem:v11+s16+$0x0], vm4;
	[tilespmem:v25+s21+$0x0] =	vst.idx.msk vm2, v16  }
0xa0: {  	[tilespmem:v26+s21+$0x0] =	vst.idx.msk vm5, v21;
	v10 =	vld.idx.msk [tilespmem:v10+s16+$0x0], vm9  }
0xa1: {  	[tilespmem:v22+s21+$0x0] =	vst.idx.msk vm6, v19  }
0xa2: {  	[tilespmem:v18+s21+$0x0] =	vst.idx.msk vm7, v23  }
0xa3: {  	[tilespmem:v24+s21+$0x0] =	vst.idx.msk vm11, v9  }
0xa4: {  	[tilespmem:v17+s21+$0x0] =	vst.idx.msk vm4, v11  }
0xa5: {  	[tilespmem:v27+s21+$0x0] =	vst.idx.msk vm9, v10  }
0xa6: {  	_ =	swait.ge [sflag:s22], $0xC380  }
0xa7: {  	[sflag:s22] =	ssyncset.done $0x0  }
0xa8: {  	s28 =	simm.s32 $0x40;
	[sflag:s22] =	ssyncadd.s32 $0xFFFF3C80  }
0xa9: {  	v8 =	vld [tilespmem:s28+$0x30]  }
0xaa: {  	v9 =	vld [tilespmem:s28+$0xFFFFFFD0]  }
0xab: {  	s29 =	simm.s32 $0x0;
	v10 =	vld [tilespmem:s28+$0xFFFFFFE0]  }
0xac: {  	v17 =	vmov s29;
	v12 =	vld [tilespmem:s28+$0x0]  }
0xad: {  	v17 =	vshrl.u32 v17, $0x7;
	v13 =	vld [tilespmem:s28+$0x10]  }
0xae: {  	v17 =	vshll.u32 v17, $0x7;
	v15 =	vld [tilespmem:s28+$0xFFFFFFC0]  }
0xaf: {  	v17 =	vbroadcast v17, $0x0;
	v14 =	vld [tilespmem:s28+$0x20]  }
0xb0: {  	vm8 =	vmmov vm11;
	v11 =	vld [tilespmem:s28+$0xFFFFFFF0];
	s28 =	simm.s32 $0xC0  }
0xb1: {  	vm0 =	vmmov vm4;
	v26 =	vor.u32 v7, v17;
	v34 =	vor.u32 v0, v17;
	v25 =	vld [tilespmem:s28+$0x30]  }
0xb2: {  	v35 =	vor.u32 v1, v17;
	vm0 =	vgt.s32 v8, $0xC380;
	vm1 =	vgt.s32 v9, $0xC380  }
0xb3: {  	vm6 =	vgt.s32 v8, $0xC37F;
	vm8 =	vgt.s32 v15, $0xC37F;
	vm7 =	vgt.s32 v9, $0xC37F  }
0xb4: {  	vm4 =	vgt.s32 v12, $0xC37F;
	vm5 =	vgt.s32 v13, $0xC37F;
	vm3 =	vgt.s32 v14, $0xC37F  }
0xb5: {  	v8 =	vnsel vm0, $0xC380, v8;
	v16 =	vnsel vm1, $0xC380, v9;
	vm0 =	vgt.s32 v10, $0xC380  }
0xb6: {  	vm1 =	vgt.s32 v11, $0xC380;
	v9 =	vor.u32 v5, v17;
	vm13 =	vgt.s32 v25, $0xC380  }
0xb7: {  	vm4 =	vmmov vm4;
	v8 =	vadd.s32 $0xFFFF3C80, v8;
	v18 =	vnsel vm0, $0xC380, v10  }
0xb8: {  	v19 =	vnsel vm1, $0xC380, v11;
	vm0 =	vgt.s32 v12, $0xC380;
	vm1 =	vgt.s32 v13, $0xC380  }
0xb9: {  	v36 =	vld [tilespmem:s28+$0xFFFFFFC0];
	v22 =	vadd.s32 $0xFFFF3C80, v16;
	v20 =	vnsel vm0, $0xC380, v12;
	v21 =	vnsel vm1, $0xC380, v13  }
0xba: {  	vm0 =	vgt.s32 v14, $0xC380;
	vm1 =	vgt.s32 v15, $0xC380;
	v24 =	vadd.s32 $0xFFFF3C80, v18;
	v13 =	vld [tilespmem:s28+$0xFFFFFFE0]  }
0xbb: {  	v19 =	vadd.s32 $0xFFFF3C80, v19;
	v12 =	vor.u32 v3, v17;
	v18 =	vld [tilespmem:s28+$0x10];
	v16 =	vnsel vm0, $0xC380, v14  }
0xbc: {  	v23 =	vnsel vm1, $0xC380, v15;
	v20 =	vadd.s32 $0xFFFF3C80, v20;
	vm1 =	vgt.s32 v11, $0xC37F;
	v11 =	vld [tilespmem:s28+$0xFFFFFFD0]  }
0xbd: {  	v28 =	vadd.s32 $0xFFFF3C80, v21;
	vm0 =	vgt.s32 v10, $0xC37F;
	v15 =	vld [tilespmem:s28+$0xFFFFFFF0];
	v14 =	vor.u32 v2, v17  }
0xbe: {  	v10 =	vor.u32 v4, v17;
	v21 =	vld [tilespmem:s28+$0x20];
	v23 =	vadd.s32 $0xFFFF3C80, v23;
	v29 =	vadd.s32 $0xFFFF3C80, v16  }
0xbf: {  	vm2 =	vmmov vm1;
	v16 =	vld [tilespmem:s28+$0x0];
	vm1 =	vmmov vm5;
	vm5 =	vgt.s32 v25, $0xC37F;
	s28 =	simm.s32 $0x80  }
0xc0: {  	v27 =	vld.idx.msk [tilespmem:v8+s18+$0x0], vm6;
	v8 =	vor.u32 v6, v17;
	v17 =	vnsel vm13, $0xC380, v25;
	v25 =	vmov s28  }
0xc1: {  	vm14 =	vgt.s32 v13, $0xC380;
	v17 =	vadd.s32 $0xFFFF3C80, v17;
	vm13 =	vgt.s32 v18, $0xC380  }
0xc2: {  	v39 =	vld.idx.msk [tilespmem:v22+s18+$0x0], vm7;
	vm10 =	vgt.s32 v11, $0xC380;
	v33 =	vnsel vm14, $0xC380, v13;
	vm15 =	vgt.s32 v15, $0xC380  }
0xc3: {  	v41 =	vnsel vm13, $0xC380, v18;
	vm14 =	vgt.s32 v21, $0xC380;
	v31 =	vnsel vm10, $0xC380, v11;
	v37 =	vld.idx.msk [tilespmem:v23+s18+$0x0], vm8  }
0xc4: {  	v23 =	vshrl.u32 v25, $0x7;
	v38 =	vnsel vm15, $0xC380, v15;
	vm12 =	vgt.s32 v16, $0xC380;
	v32 =	vld.idx.msk [tilespmem:v24+s18+$0x0], vm0  }
0xc5: {  	v42 =	vnsel vm14, $0xC380, v21;
	vm15 =	vgt.s32 v36, $0xC380;
	v29 =	vld.idx.msk [tilespmem:v29+s18+$0x0], vm3;
	v22 =	vshll.u32 v23, $0x7  }
0xc6: {  	v40 =	vnsel vm12, $0xC380, v16;
	v30 =	vld.idx.msk [tilespmem:v19+s18+$0x0], vm2;
	v23 =	vadd.s32 $0xFFFF3C80, v33;
	v25 =	vbroadcast v22, $0x0  }
0xc7: {  	v24 =	vadd.s32 $0xFFFF3C80, v38;
	v28 =	vld.idx.msk [tilespmem:v28+s18+$0x0], vm1;
	v22 =	vadd.s32 $0xFFFF3C80, v31;
	[tilespmem:v26+s20+$0x0] =	vst.idx.msk vm6, v27;
	v19 =	vadd.s32 $0xFFFF3C80, v40  }
0xc8: {  	vm6 =	vgt.s32 v36, $0xC37F;
	[tilespmem:v35+s20+$0x0] =	vst.idx.msk vm7, v39;
	v31 =	vld.idx.msk [tilespmem:v17+s18+$0x0], vm5;
	v17 =	vnsel vm15, $0xC380, v36;
	v33 =	vor.u32 v7, v25  }
0xc9: {  	s30 =	simm.s32 $0x140;
	s29 =	simm.s32 $0x8;
	v27 =	vld.idx.msk [tilespmem:v20+s18+$0x0], vm4;
	v20 =	vadd.s32 $0xFFFF3C80, v41;
	v26 =	vadd.s32 $0xFFFF3C80, v17;
	v17 =	vadd.s32 $0xFFFF3C80, v42;
	[tilespmem:v34+s20+$0x0] =	vst.idx.msk vm8, v37  }
.LBB2_7:
0xca: {  	vm7 =	vgt.s32 v11, $0xC37F  }
0xcb: {  	v34 =	vld [tilespmem:s30+$0x30];
	s29 =	sadd.s32 $0x8, s29;
	vm9 =	vgt.s32 v15, $0xC37F;
	[tilespmem:v14+s20+$0x0] =	vst.idx.msk vm0, v32;
	vm0 =	vgt.s32 v13, $0xC37F;
	vm8 =	vmmov vm3  }
0xcc: {  	vm10 =	vgt.s32 v16, $0xC37F;
	vm11 =	vgt.s32 v18, $0xC37F;
	vm3 =	vgt.s32 v21, $0xC37F;
	v11 =	vld [tilespmem:s30+$0xFFFFFFD0];
	p0 =	slt.u32 s29, $0xF8;
	[tilespmem:v12+s20+$0x0] =	vst.idx.msk vm2, v30  }
0xcd: {  	v35 =	vor.u32 v0, v25;
	v36 =	vor.u32 v1, v25;
	vm2 =	vmmov vm9;
	v13 =	vld [tilespmem:s30+$0xFFFFFFE0];
	[tilespmem:v33+s20+$0x0] =	vst.idx.msk vm5, v31  }
0xce: {  	v14 =	vor.u32 v2, v25;
	v18 =	vor.u32 v4, v25;
	v12 =	vor.u32 v3, v25;
	v15 =	vld [tilespmem:s30+$0xFFFFFFF0]  }
0xcf: {  	v21 =	vor.u32 v5, v25;
	v25 =	vor.u32 v6, v25;
	v16 =	vld [tilespmem:s30+$0x0];
	[tilespmem:v10+s20+$0x0] =	vst.idx.msk vm4, v27;
	v10 =	vmov v18  }
0xd0: {  	vm4 =	vmmov vm10;
	v18 =	vld [tilespmem:s30+$0x10];
	vm9 =	vgt.s32 v34, $0xC380;
	[tilespmem:v9+s20+$0x0] =	vst.idx.msk vm1, v28;
	v9 =	vmovc v21;
	vm1 =	vmmov vm11  }
0xd1: {  	vm5 =	vgt.s32 v34, $0xC37F;
	vm10 =	vgt.s32 v11, $0xC380;
	v21 =	vld [tilespmem:s30+$0x20];
	v27 =	vnsel vm9, $0xC380, v34;
	[tilespmem:v8+s20+$0x0] =	vst.idx.msk vm8, v29;
	v8 =	vmovc v25  }
0xd2: {  	s28 =	sadd.s32 $0x80, s28;
	v29 =	vld [tilespmem:s30+$0xFFFFFFC0];
	v28 =	vnsel vm10, $0xC380, v11;
	vm8 =	vgt.s32 v13, $0xC380;
	v27 =	vadd.s32 $0xFFFF3C80, v27  }
0xd3: {  	v25 =	vmov s28;
	v33 =	vnsel vm8, $0xC380, v13;
	vm8 =	vgt.s32 v15, $0xC380;
	v34 =	vld.idx.msk [tilespmem:v26+s18+$0x0], vm6  }
0xd4: {  	v25 =	vshrl.u32 v25, $0x7;
	v37 =	vnsel vm8, $0xC380, v15;
	vm8 =	vgt.s32 v16, $0xC380;
	v38 =	vld.idx.msk [tilespmem:v22+s18+$0x0], vm7  }
0xd5: {  	v22 =	vshll.u32 v25, $0x7;
	v39 =	vnsel vm8, $0xC380, v16;
	vm8 =	vgt.s32 v18, $0xC380;
	v32 =	vld.idx.msk [tilespmem:v23+s18+$0x0], vm0  }
.Ltmp6:
0xd6: {  	v25 =	vbroadcast v22, $0x0;
	v40 =	vnsel vm8, $0xC380, v18;
	vm8 =	vgt.s32 v21, $0xC380;
	v30 =	vld.idx.msk [tilespmem:v24+s18+$0x0], vm2;
	(pc) =	sbr.rel @p0 .LBB2_7-.Ltmp6, $4  }
0xd7: {  	v22 =	vadd.s32 $0xFFFF3C80, v28;
	vm9 =	vgt.s32 v29, $0xC380;
	v41 =	vnsel vm8, $0xC380, v21;
	v31 =	vld.idx.msk [tilespmem:v27+s18+$0x0], vm5  }
0xd8: {  	v23 =	vadd.s32 $0xFFFF3C80, v33;
	v33 =	vor.u32 v7, v25;
	v24 =	vnsel vm9, $0xC380, v29;
	v27 =	vld.idx.msk [tilespmem:v19+s18+$0x0], vm4  }
0xd9: {  	v19 =	vadd.s32 $0xFFFF3C80, v39;
	v26 =	vadd.s32 $0xFFFF3C80, v24;
	v24 =	vadd.s32 $0xFFFF3C80, v37;
	[tilespmem:v35+s20+$0x0] =	vst.idx.msk vm6, v34;
	v28 =	vld.idx.msk [tilespmem:v20+s18+$0x0], vm11  }
0xda: {  	s30 =	sadd.s32 $0x80, s30;
	vm6 =	vgt.s32 v29, $0xC37F;
	v20 =	vadd.s32 $0xFFFF3C80, v40;
	[tilespmem:v36+s20+$0x0] =	vst.idx.msk vm7, v38;
	v29 =	vld.idx.msk [tilespmem:v17+s18+$0x0], vm3;
	v17 =	vadd.s32 $0xFFFF3C80, v41  }
0xdb: {  	_ = 	snop  }
0xdc: {  	vm9 =	vgt.s32 v11, $0xC37F  }
0xdd: {  	vm8 =	vgt.s32 v13, $0xC37F;
	vm7 =	vgt.s32 v15, $0xC37F  }
0xde: {  	vm10 =	vgt.s32 v16, $0xC37F;
	vm7 =	vmmov vm7  }
0xdf: {  	vm11 =	vmmov vm3;
	vm3 =	vmmov vm10  }
0xe0: {  	vm12 =	vgt.s32 v18, $0xC37F;
	[tilespmem:v14+s20+$0x0] =	vst.idx.msk vm0, v32  }
0xe1: {  	vm15 =	vgt.s32 v21, $0xC37F;
	[tilespmem:v12+s20+$0x0] =	vst.idx.msk vm2, v30;
	v11 =	vor.u32 v0, v25;
	v12 =	vld.idx.msk [tilespmem:v26+s18+$0x0], vm6  }
0xe2: {  	v13 =	vor.u32 v1, v25;
	[tilespmem:v33+s20+$0x0] =	vst.idx.msk vm5, v31;
	v14 =	vld.idx.msk [tilespmem:v22+s18+$0x0], vm9  }
0xe3: {  	v15 =	vor.u32 v2, v25;
	[tilespmem:v10+s20+$0x0] =	vst.idx.msk vm4, v27;
	v10 =	vld.idx.msk [tilespmem:v23+s18+$0x0], vm8  }
0xe4: {  	v16 =	vor.u32 v3, v25;
	[tilespmem:v9+s20+$0x0] =	vst.idx.msk vm1, v28;
	v9 =	vld.idx.msk [tilespmem:v24+s18+$0x0], vm7  }
0xe5: {  	p0 =	sgt.u32 s26, $0x17;
	v18 =	vor.u32 v4, v25;
	[tilespmem:v8+s20+$0x0] =	vst.idx.msk vm11, v29;
	v8 =	vld.idx.msk [tilespmem:v19+s18+$0x0], vm3  }
0xe6: {  	s28 =	sadd.s32 @p0 s26, s10;
	[tilespmem:v11+s20+$0x0] =	vst.idx.msk vm6, v12;
	v11 =	vld.idx.msk [tilespmem:v20+s18+$0x0], vm12;
	v19 =	vor.u32 v5, v25  }
0xe7: {  	s30 =	sadd.s32 @!p0 s8, s26;
	s29 =	sshll.u32 @p0 s28, $0xE;
	s28 =	sshll.u32 @p0 s28, $0x7;
	v12 =	vor.u32 v6, v25;
	[tilespmem:v13+s20+$0x0] =	vst.idx.msk vm9, v14;
	v13 =	vld.idx.msk [tilespmem:v17+s18+$0x0], vm15  }
0xe8: {  	s31 =	sshll.u32 @!p0 s26, $0x4;
	s29 =	sand.u32 @p0 $0x7FFE0000, s29;
	s28 =	sand.u32 @p0 $0x380, s28;
	[tilespmem:v15+s20+$0x0] =	vst.idx.msk vm8, v10  }
0xe9: {  	s28 =	sor.u32 @p0 s28, s29;
	s29 =	sshll.u32 @!p0 s30, $0xB;
	s30 =	sand.u32 @!p0 $0x70, s31;
	[tilespmem:v16+s20+$0x0] =	vst.idx.msk vm7, v9  }
0xea: {  	s28 =	sshrl.u32 @p0 s28, $0x3;
	s29 =	sand.u32 @!p0 $0xFFFC000, s29;
	s30 =	sadd.s32 @!p0 s5, s30;
	[tilespmem:v18+s20+$0x0] =	vst.idx.msk vm3, v8  }
0xeb: {  	s31 =	sadd.s32 @p0 s6, s28;
	s28 =	sadd.s32 @!p0 s29, s30;
	[tilespmem:v19+s20+$0x0] =	vst.idx.msk vm12, v11  }
0xec: {  	s29 =	simm.s32 $0x1070;
	s28 =	smov.u32 @p0 s31;
	[tilespmem:v12+s20+$0x0] =	vst.idx.msk vm15, v13  }
0xed: {  	[hbm4b:s28+s14] =	stream.strided.scatter [tilespmem:s20], [sflag:$0x3], $0x1000, s15, s14, $0x38;
	[tilespmem:$0x1E700] =	vst v63  }
0xee: {  	v8 =	vld [tilespmem:s29+$0x0]  }
0xef: {  	v9 =	vld [tilespmem:s29+$0xFFFFFFA0]  }
0xf0: {  	s30 =	simm.s32 $0x0;
	v10 =	vld [tilespmem:s29+$0xFFFFFFB0]  }
0xf1: {  	v17 =	vmov s30;
	v12 =	vld [tilespmem:s29+$0xFFFFFFD0]  }
0xf2: {  	v17 =	vshrl.u32 v17, $0x7;
	v13 =	vld [tilespmem:s29+$0xFFFFFFE0]  }
0xf3: {  	v17 =	vshll.u32 v17, $0x7;
	v15 =	vld [tilespmem:s29+$0xFFFFFF90]  }
0xf4: {  	v17 =	vbroadcast v17, $0x0;
	v14 =	vld [tilespmem:s29+$0xFFFFFFF0]  }
0xf5: {  	vm0 =	vmmov vm12;
	v11 =	vld [tilespmem:s29+$0xFFFFFFC0];
	s29 =	simm.s32 $0x10F0  }
0xf6: {  	vm1 =	vmmov vm15;
	v24 =	vor.u32 v7, v17;
	v34 =	vor.u32 v0, v17;
	v25 =	vld [tilespmem:s29+$0x0]  }
0xf7: {  	v35 =	vor.u32 v1, v17;
	vm0 =	vgt.s32 v8, $0xC380;
	vm1 =	vgt.s32 v9, $0xC380  }
0xf8: {  	vm6 =	vgt.s32 v8, $0xC37F;
	vm8 =	vgt.s32 v15, $0xC37F;
	vm7 =	vgt.s32 v9, $0xC37F  }
0xf9: {  	vm4 =	vgt.s32 v12, $0xC37F;
	vm5 =	vgt.s32 v13, $0xC37F;
	vm3 =	vgt.s32 v14, $0xC37F  }
0xfa: {  	v8 =	vnsel vm0, $0xC380, v8;
	v16 =	vnsel vm1, $0xC380, v9;
	vm0 =	vgt.s32 v10, $0xC380  }
0xfb: {  	vm1 =	vgt.s32 v11, $0xC380;
	v9 =	vor.u32 v5, v17;
	vm12 =	vgt.s32 v25, $0xC380  }
0xfc: {  	vm4 =	vmmov vm4;
	v8 =	vadd.s32 $0xFFFF3C80, v8;
	v18 =	vnsel vm0, $0xC380, v10  }
0xfd: {  	v19 =	vnsel vm1, $0xC380, v11;
	vm0 =	vgt.s32 v12, $0xC380;
	vm1 =	vgt.s32 v13, $0xC380  }
0xfe: {  	v36 =	vld [tilespmem:s29+$0xFFFFFF90];
	v22 =	vadd.s32 $0xFFFF3C80, v16;
	v20 =	vnsel vm0, $0xC380, v12;
	v21 =	vnsel vm1, $0xC380, v13  }
0xff: {  	vm0 =	vgt.s32 v14, $0xC380;
	vm1 =	vgt.s32 v15, $0xC380;
	v18 =	vadd.s32 $0xFFFF3C80, v18;
	v13 =	vld [tilespmem:s29+$0xFFFFFFB0]  }
0x100: {  	v19 =	vadd.s32 $0xFFFF3C80, v19;
	v23 =	vnsel vm1, $0xC380, v15;
	vm1 =	vgt.s32 v11, $0xC37F;
	v11 =	vld [tilespmem:s29+$0xFFFFFFA0]  }
0x101: {  	v12 =	vor.u32 v3, v17;
	v16 =	vnsel vm0, $0xC380, v14;
	v20 =	vadd.s32 $0xFFFF3C80, v20;
	v15 =	vld [tilespmem:s29+$0xFFFFFFC0]  }
0x102: {  	v28 =	vadd.s32 $0xFFFF3C80, v21;
	vm0 =	vgt.s32 v10, $0xC37F;
	v14 =	vor.u32 v2, v17;
	v21 =	vld [tilespmem:s29+$0xFFFFFFF0]  }
0x103: {  	v23 =	vadd.s32 $0xFFFF3C80, v23;
	v31 =	vadd.s32 $0xFFFF3C80, v16;
	vm2 =	vmmov vm1;
	v16 =	vld [tilespmem:s29+$0xFFFFFFD0]  }
0x104: {  	vm1 =	vmmov vm5;
	vm5 =	vgt.s32 v25, $0xC37F;
	v25 =	vnsel vm12, $0xC380, v25;
	v26 =	vld.idx.msk [tilespmem:v8+s18+$0x0], vm6  }
0x105: {  	v10 =	vor.u32 v4, v17;
	v30 =	vadd.s32 $0xFFFF3C80, v25;
	v8 =	vor.u32 v6, v17;
	v17 =	vld [tilespmem:s29+$0xFFFFFFE0];
	s29 =	simm.s32 $0x80  }
0x106: {  	vm14 =	vgt.s32 v13, $0xC380;
	v25 =	vmov s29;
	vm13 =	vgt.s32 v11, $0xC380  }
0x107: {  	v39 =	vld.idx.msk [tilespmem:v22+s18+$0x0], vm7;
	v63 =	vnsel vm14, $0xC380, v13;
	vm15 =	vgt.s32 v15, $0xC380;
	vm14 =	vgt.s32 v21, $0xC380  }
0x108: {  	v27 =	vnsel vm13, $0xC380, v11;
	v37 =	vld.idx.msk [tilespmem:v23+s18+$0x0], vm8;
	v23 =	vshrl.u32 v25, $0x7;
	v38 =	vnsel vm15, $0xC380, v15  }
0x109: {  	vm12 =	vgt.s32 v16, $0xC380;
	v32 =	vld.idx.msk [tilespmem:v18+s18+$0x0], vm0;
	vm15 =	vgt.s32 v36, $0xC380;
	v41 =	vnsel vm14, $0xC380, v21  }
0x10a: {  	v22 =	vshll.u32 v23, $0x7;
	v40 =	vnsel vm12, $0xC380, v16;
	v29 =	vld.idx.msk [tilespmem:v19+s18+$0x0], vm2;
	v19 =	vnsel vm15, $0xC380, v36  }
0x10b: {  	v31 =	vld.idx.msk [tilespmem:v31+s18+$0x0], vm3;
	v23 =	vadd.s32 $0xFFFF3C80, v63;
	vm13 =	vgt.s32 v17, $0xC380;
	v25 =	vbroadcast v22, $0x0  }
0x10c: {  	v30 =	vld.idx.msk [tilespmem:v30+s18+$0x0], vm5;
	v22 =	vadd.s32 $0xFFFF3C80, v27;
	[tilespmem:v24+s21+$0x0] =	vst.idx.msk vm6, v26;
	v26 =	vadd.s32 $0xFFFF3C80, v19;
	v24 =	vadd.s32 $0xFFFF3C80, v38  }
0x10d: {  	v28 =	vld.idx.msk [tilespmem:v28+s18+$0x0], vm1;
	v19 =	vadd.s32 $0xFFFF3C80, v40;
	[tilespmem:v35+s21+$0x0] =	vst.idx.msk vm7, v39;
	v18 =	vnsel vm13, $0xC380, v17;
	v33 =	vor.u32 v7, v25  }
0x10e: {  	s31 =	simm.s32 $0x1170;
	s30 =	simm.s32 $0x8;
	v27 =	vld.idx.msk [tilespmem:v20+s18+$0x0], vm4;
	vm6 =	vgt.s32 v36, $0xC37F;
	v20 =	vadd.s32 $0xFFFF3C80, v18;
	v18 =	vadd.s32 $0xFFFF3C80, v41;
	[tilespmem:v34+s21+$0x0] =	vst.idx.msk vm8, v37  }
.LBB2_9:
0x10f: {  	vm7 =	vgt.s32 v11, $0xC37F  }
0x110: {  	v34 =	vld [tilespmem:s31+$0x0];
	s30 =	sadd.s32 $0x8, s30;
	vm9 =	vgt.s32 v15, $0xC37F;
	[tilespmem:v14+s21+$0x0] =	vst.idx.msk vm0, v32;
	vm0 =	vgt.s32 v13, $0xC37F;
	vm8 =	vmmov vm3  }
0x111: {  	vm10 =	vgt.s32 v16, $0xC37F;
	vm11 =	vgt.s32 v17, $0xC37F;
	vm3 =	vgt.s32 v21, $0xC37F;
	v11 =	vld [tilespmem:s31+$0xFFFFFFA0];
	p1 =	slt.u32 s30, $0xF8;
	[tilespmem:v12+s21+$0x0] =	vst.idx.msk vm2, v29  }
0x112: {  	v35 =	vor.u32 v0, v25;
	v36 =	vor.u32 v1, v25;
	vm2 =	vmmov vm9;
	v13 =	vld [tilespmem:s31+$0xFFFFFFB0];
	[tilespmem:v33+s21+$0x0] =	vst.idx.msk vm5, v30  }
0x113: {  	v14 =	vor.u32 v2, v25;
	v17 =	vor.u32 v4, v25;
	v12 =	vor.u32 v3, v25;
	v15 =	vld [tilespmem:s31+$0xFFFFFFC0]  }
0x114: {  	v21 =	vor.u32 v5, v25;
	v25 =	vor.u32 v6, v25;
	v16 =	vld [tilespmem:s31+$0xFFFFFFD0];
	[tilespmem:v10+s21+$0x0] =	vst.idx.msk vm4, v27;
	v10 =	vmov v17  }
0x115: {  	vm4 =	vmmov vm10;
	v17 =	vld [tilespmem:s31+$0xFFFFFFE0];
	vm9 =	vgt.s32 v34, $0xC380;
	[tilespmem:v9+s21+$0x0] =	vst.idx.msk vm1, v28;
	v9 =	vmovc v21;
	vm1 =	vmmov vm11  }
0x116: {  	vm5 =	vgt.s32 v34, $0xC37F;
	vm10 =	vgt.s32 v11, $0xC380;
	v21 =	vld [tilespmem:s31+$0xFFFFFFF0];
	v27 =	vnsel vm9, $0xC380, v34;
	[tilespmem:v8+s21+$0x0] =	vst.idx.msk vm8, v31;
	v8 =	vmovc v25  }
0x117: {  	s29 =	sadd.s32 $0x80, s29;
	v31 =	vld [tilespmem:s31+$0xFFFFFF90];
	v28 =	vnsel vm10, $0xC380, v11;
	vm8 =	vgt.s32 v13, $0xC380;
	v27 =	vadd.s32 $0xFFFF3C80, v27  }
0x118: {  	v25 =	vmov s29;
	v33 =	vnsel vm8, $0xC380, v13;
	vm8 =	vgt.s32 v15, $0xC380;
	v34 =	vld.idx.msk [tilespmem:v26+s18+$0x0], vm6  }
0x119: {  	v25 =	vshrl.u32 v25, $0x7;
	v37 =	vnsel vm8, $0xC380, v15;
	vm8 =	vgt.s32 v16, $0xC380;
	v38 =	vld.idx.msk [tilespmem:v22+s18+$0x0], vm7  }
0x11a: {  	v22 =	vshll.u32 v25, $0x7;
	v39 =	vnsel vm8, $0xC380, v16;
	vm8 =	vgt.s32 v17, $0xC380;
	v32 =	vld.idx.msk [tilespmem:v23+s18+$0x0], vm0  }
.Ltmp7:
0x11b: {  	v25 =	vbroadcast v22, $0x0;
	v40 =	vnsel vm8, $0xC380, v17;
	vm8 =	vgt.s32 v21, $0xC380;
	v29 =	vld.idx.msk [tilespmem:v24+s18+$0x0], vm2;
	(pc) =	sbr.rel @p1 .LBB2_9-.Ltmp7, $4  }
0x11c: {  	v22 =	vadd.s32 $0xFFFF3C80, v28;
	vm9 =	vgt.s32 v31, $0xC380;
	v41 =	vnsel vm8, $0xC380, v21;
	v30 =	vld.idx.msk [tilespmem:v27+s18+$0x0], vm5  }
0x11d: {  	v23 =	vadd.s32 $0xFFFF3C80, v33;
	v33 =	vor.u32 v7, v25;
	v24 =	vnsel vm9, $0xC380, v31;
	v27 =	vld.idx.msk [tilespmem:v19+s18+$0x0], vm4  }
0x11e: {  	v19 =	vadd.s32 $0xFFFF3C80, v39;
	v26 =	vadd.s32 $0xFFFF3C80, v24;
	v24 =	vadd.s32 $0xFFFF3C80, v37;
	[tilespmem:v35+s21+$0x0] =	vst.idx.msk vm6, v34;
	v28 =	vld.idx.msk [tilespmem:v20+s18+$0x0], vm11  }
0x11f: {  	s31 =	sadd.s32 $0x80, s31;
	vm6 =	vgt.s32 v31, $0xC37F;
	v20 =	vadd.s32 $0xFFFF3C80, v40;
	[tilespmem:v36+s21+$0x0] =	vst.idx.msk vm7, v38;
	v31 =	vld.idx.msk [tilespmem:v18+s18+$0x0], vm3;
	v18 =	vadd.s32 $0xFFFF3C80, v41  }
0x120: {  	_ = 	snop  }
0x121: {  	vm7 =	vgt.s32 v11, $0xC37F  }
0x122: {  	vm8 =	vgt.s32 v13, $0xC37F;
	vm9 =	vgt.s32 v15, $0xC37F  }
0x123: {  	vm10 =	vgt.s32 v16, $0xC37F;
	vm9 =	vmmov vm9  }
0x124: {  	vm3 =	vmmov vm3;
	vm11 =	vgt.s32 v17, $0xC37F;
	vm10 =	vmmov vm10  }
0x125: {  	[tilespmem:v14+s21+$0x0] =	vst.idx.msk vm0, v32;
	vm0 =	vmmov vm11  }
0x126: {  	[tilespmem:v12+s21+$0x0] =	vst.idx.msk vm2, v29;
	v11 =	vor.u32 v0, v25;
	v12 =	vld.idx.msk [tilespmem:v26+s18+$0x0], vm6;
	vm11 =	vgt.s32 v21, $0xC37F  }
0x127: {  	v13 =	vor.u32 v1, v25;
	[tilespmem:v33+s21+$0x0] =	vst.idx.msk vm5, v30;
	v14 =	vld.idx.msk [tilespmem:v22+s18+$0x0], vm7  }
0x128: {  	v15 =	vor.u32 v2, v25;
	[tilespmem:v10+s21+$0x0] =	vst.idx.msk vm4, v27;
	v10 =	vld.idx.msk [tilespmem:v23+s18+$0x0], vm8  }
0x129: {  	v16 =	vor.u32 v3, v25;
	[tilespmem:v9+s21+$0x0] =	vst.idx.msk vm1, v28;
	v9 =	vld.idx.msk [tilespmem:v24+s18+$0x0], vm9  }
0x12a: {  	v17 =	vor.u32 v4, v25;
	[tilespmem:v8+s21+$0x0] =	vst.idx.msk vm3, v31;
	v8 =	vld.idx.msk [tilespmem:v19+s18+$0x0], vm10  }
0x12b: {  	[tilespmem:v11+s21+$0x0] =	vst.idx.msk vm6, v12;
	v19 =	vor.u32 v5, v25;
	v11 =	vld.idx.msk [tilespmem:v20+s18+$0x0], vm0  }
0x12c: {  	v12 =	vor.u32 v6, v25;
	[tilespmem:v13+s21+$0x0] =	vst.idx.msk vm7, v14;
	v13 =	vld.idx.msk [tilespmem:v18+s18+$0x0], vm11  }
0x12d: {  	[tilespmem:v15+s21+$0x0] =	vst.idx.msk vm8, v10  }
0x12e: {  	[tilespmem:v16+s21+$0x0] =	vst.idx.msk vm9, v9  }
0x12f: {  	[tilespmem:v17+s21+$0x0] =	vst.idx.msk vm10, v8  }
0x130: {  	[tilespmem:v19+s21+$0x0] =	vst.idx.msk vm0, v11  }
0x131: {  	s29 =	sadd.s32 $0x1000, s28;
	[tilespmem:v12+s21+$0x0] =	vst.idx.msk vm11, v13  }
0x132: {  	[hbm4b:s29+s14] =	stream.strided.scatter [tilespmem:s21], [sflag:$0x4], $0x1000, s15, s14, $0x38;
	[tilespmem:$0x1E700] =	vst v63  }
0x133: {  	_ =	swait.ge [sflag:s23], $0x1000  }
0x134: {  	[sflag:s23] =	ssyncset.done $0x0  }
0x135: {  	s29 =	simm.s32 $0x2070;
	[sflag:s23] =	ssyncadd.s32 $0xFFFFF000  }
0x136: {  	v8 =	vld [tilespmem:s29+$0x0]  }
0x137: {  	v9 =	vld [tilespmem:s29+$0xFFFFFFA0]  }
0x138: {  	v12 =	vld [tilespmem:s29+$0xFFFFFFD0]  }
0x139: {  	v10 =	vld [tilespmem:s29+$0xFFFFFFB0]  }
0x13a: {  	v11 =	vld [tilespmem:s29+$0xFFFFFFC0]  }
0x13b: {  	v13 =	vld [tilespmem:s29+$0xFFFFFFE0];
	vm6 =	vlt.s32 v8, $0xC380  }
0x13c: {  	v14 =	vld [tilespmem:s29+$0xFFFFFFF0];
	v8 =	vnsel vm6, $0x0, v8  }
0x13d: {  	s30 =	simm.s32 $0x20F0;
	v15 =	vld [tilespmem:s29+$0xFFFFFF90];
	vm8 =	vlt.s32 v12, $0xC380  }
0x13e: {  	v19 =	vld [tilespmem:s30+$0xFFFFFFA0];
	v12 =	vnsel vm8, $0x0, v12  }
0x13f: {  	v21 =	vld [tilespmem:s30+$0xFFFFFFB0]  }
0x140: {  	vm1 =	vmmov vm11;
	s29 =	simm.s32 $0x0;
	v22 =	vld [tilespmem:s30+$0xFFFFFFC0];
	vm7 =	vlt.s32 v9, $0xC380  }
0x141: {  	vm4 =	vlt.s32 v10, $0xC380;
	vm3 =	vlt.s32 v11, $0xC380;
	v16 =	vld.idx.msk [tilespmem:v8+s16+$0x0], vm6;
	v8 =	vmov s29  }
0x142: {  	v29 =	vld [tilespmem:s30+$0xFFFFFFE0];
	vm0 =	vlt.s32 v13, $0xC380;
	v9 =	vnsel vm7, $0x0, v9;
	v8 =	vshrl.u32 v8, $0x7  }
0x143: {  	vm11 =	vlt.s32 v14, $0xC380;
	v10 =	vnsel vm4, $0x0, v10;
	v18 =	vld.idx.msk [tilespmem:v12+s16+$0x0], vm8;
	v8 =	vshll.u32 v8, $0x7  }
0x144: {  	vm1 =	vlt.s32 v15, $0xC380;
	v11 =	vnsel vm3, $0x0, v11;
	v12 =	vld [tilespmem:s30+$0x0];
	v8 =	vbroadcast v8, $0x0  }
0x145: {  	v26 =	vld [tilespmem:s30+$0xFFFFFFD0];
	vm2 =	vlt.s32 v19, $0xC380;
	vm5 =	vlt.s32 v21, $0xC380;
	vm10 =	vmmov vm1  }
0x146: {  	v60 =	vld [tilespmem:s30+$0xFFFFFFF0];
	v20 =	vnsel vm11, $0x0, v14;
	v15 =	vnsel vm1, $0x0, v15;
	v14 =	vor.u32 v7, v8  }
0x147: {  	vm9 =	vlt.s32 v29, $0xC380;
	v21 =	vnsel vm5, $0x0, v21;
	v17 =	vld.idx.msk [tilespmem:v9+s16+$0x0], vm7;
	v23 =	vor.u32 v1, v8  }
0x148: {  	v13 =	vnsel vm0, $0x0, v13;
	vm0 =	vmmov vm0;
	v10 =	vld.idx.msk [tilespmem:v10+s16+$0x0], vm4;
	v24 =	vor.u32 v2, v8  }
0x149: {  	v19 =	vnsel vm2, $0x0, v19;
	v11 =	vld.idx.msk [tilespmem:v11+s16+$0x0], vm3;
	s29 =	simm.s32 $0x80;
	v25 =	vor.u32 v3, v8;
	vm1 =	vlt.s32 v12, $0xC380  }
0x14a: {  	v62 =	vld [tilespmem:s30+$0xFFFFFF90];
	v27 =	vor.u32 v4, v8;
	v61 =	vnsel vm1, $0x0, v12;
	v12 =	vmov s29  }
0x14b: {  	v63 =	vld.idx.msk [tilespmem:v15+s16+$0x0], vm10;
	v28 =	vor.u32 v0, v8;
	v12 =	vshrl.u32 v12, $0x7;
	[tilespmem:v14+s20+$0x0] =	vst.idx.msk vm6, v16;
	vm6 =	vlt.s32 v22, $0xC380  }
0x14c: {  	v21 =	vld.idx.msk [tilespmem:v21+s16+$0x0], vm5;
	v12 =	vshll.u32 v12, $0x7;
	[tilespmem:v23+s20+$0x0] =	vst.idx.msk vm7, v17;
	vm7 =	vlt.s32 v26, $0xC380;
	v17 =	vnsel vm6, $0x0, v22  }
0x14d: {  	v9 =	vor.u32 v5, v8;
	v34 =	vbroadcast v12, $0x0;
	v12 =	vld.idx.msk [tilespmem:v20+s16+$0x0], vm11;
	[tilespmem:v24+s20+$0x0] =	vst.idx.msk vm4, v10;
	v23 =	vnsel vm7, $0x0, v26  }
0x14e: {  	v8 =	vor.u32 v6, v8;
	v14 =	vld.idx.msk [tilespmem:v13+s16+$0x0], vm0;
	[tilespmem:v25+s20+$0x0] =	vst.idx.msk vm3, v11;
	vm3 =	vmmov vm11;
	v10 =	vnsel vm9, $0x0, v29  }
0x14f: {  	vm4 =	vlt.s32 v60, $0xC380;
	[tilespmem:v27+s20+$0x0] =	vst.idx.msk vm8, v18;
	vm11 =	vlt.s32 v62, $0xC380;
	v15 =	vld.idx.msk [tilespmem:v61+s16+$0x0], vm1;
	v20 =	vor.u32 v7, v34  }
0x150: {  	v16 =	vld.idx.msk [tilespmem:v19+s16+$0x0], vm2;
	[tilespmem:v28+s20+$0x0] =	vst.idx.msk vm10, v63;
	v11 =	vnsel vm4, $0x0, v60;
	v13 =	vnsel vm11, $0x0, v62;
	v25 =	vor.u32 v1, v34  }
0x151: {  	v24 =	vor.u32 v0, v34;
	v26 =	vor.u32 v2, v34;
	v22 =	vor.u32 v3, v34;
	v19 =	vld.idx.msk [tilespmem:v17+s16+$0x0], vm6  }
0x152: {  	s31 =	simm.s32 $0x2170;
	s30 =	simm.s32 $0x8;
	v18 =	vor.u32 v4, v34;
	v27 =	vor.u32 v5, v34;
	v23 =	vld.idx.msk [tilespmem:v23+s16+$0x0], vm7;
	v17 =	vor.u32 v6, v34  }
.LBB2_11:
0x153: {  	v28 =	vld [tilespmem:s31+$0x0];
	s30 =	sadd.s32 $0x8, s30;
	[tilespmem:v9+s20+$0x0] =	vst.idx.msk vm0, v14;
	v29 =	vmovc v24;
	v9 =	vmov v27;
	vm0 =	vmmov vm9;
	vm8 =	vmmov vm11  }
0x154: {  	v14 =	vld [tilespmem:s31+$0xFFFFFFA0];
	p1 =	slt.u32 s30, $0xF8;
	[tilespmem:v20+s20+$0x0] =	vst.idx.msk vm1, v15  }
0x155: {  	v15 =	vld [tilespmem:s31+$0xFFFFFFB0];
	[tilespmem:v25+s20+$0x0] =	vst.idx.msk vm2, v16  }
0x156: {  	v16 =	vld [tilespmem:s31+$0xFFFFFFC0];
	[tilespmem:v26+s20+$0x0] =	vst.idx.msk vm5, v21  }
0x157: {  	v20 =	vld [tilespmem:s31+$0xFFFFFFD0];
	[tilespmem:v22+s20+$0x0] =	vst.idx.msk vm6, v19  }
0x158: {  	v19 =	vld [tilespmem:s31+$0xFFFFFFE0];
	vm1 =	vlt.s32 v28, $0xC380;
	[tilespmem:v18+s20+$0x0] =	vst.idx.msk vm7, v23  }
0x159: {  	s29 =	sadd.s32 $0x80, s29;
	vm2 =	vlt.s32 v14, $0xC380;
	v18 =	vld [tilespmem:s31+$0xFFFFFFF0];
	v21 =	vnsel vm1, $0x0, v28;
	[tilespmem:v8+s20+$0x0] =	vst.idx.msk vm3, v12;
	v8 =	vmovc v17;
	vm3 =	vmmov vm4  }
0x15a: {  	v12 =	vmov s29;
	v17 =	vld [tilespmem:s31+$0xFFFFFF90];
	v22 =	vnsel vm2, $0x0, v14;
	vm5 =	vlt.s32 v15, $0xC380  }
0x15b: {  	v12 =	vshrl.u32 v12, $0x7;
	v23 =	vnsel vm5, $0x0, v15;
	vm6 =	vlt.s32 v16, $0xC380;
	v28 =	vld.idx.msk [tilespmem:v13+s16+$0x0], vm11  }
0x15c: {  	v12 =	vshll.u32 v12, $0x7;
	v27 =	vnsel vm6, $0x0, v16;
	vm7 =	vlt.s32 v20, $0xC380;
	v14 =	vld.idx.msk [tilespmem:v10+s16+$0x0], vm9  }
0x15d: {  	v30 =	vbroadcast v12, $0x0;
	v31 =	vnsel vm7, $0x0, v20;
	vm9 =	vlt.s32 v19, $0xC380;
	v12 =	vld.idx.msk [tilespmem:v11+s16+$0x0], vm4  }
.Ltmp8:
0x15e: {  	v10 =	vnsel vm9, $0x0, v19;
	vm4 =	vlt.s32 v18, $0xC380;
	v15 =	vld.idx.msk [tilespmem:v21+s16+$0x0], vm1;
	(pc) =	sbr.rel @p1 .LBB2_11-.Ltmp8, $4  }
0x15f: {  	v20 =	vor.u32 v7, v30;
	vm11 =	vlt.s32 v17, $0xC380;
	v16 =	vld.idx.msk [tilespmem:v22+s16+$0x0], vm2;
	v11 =	vnsel vm4, $0x0, v18  }
0x160: {  	v24 =	vor.u32 v0, v30;
	v25 =	vor.u32 v1, v30;
	v13 =	vnsel vm11, $0x0, v17;
	v21 =	vld.idx.msk [tilespmem:v23+s16+$0x0], vm5  }
0x161: {  	v26 =	vor.u32 v2, v30;
	v22 =	vor.u32 v3, v30;
	v18 =	vor.u32 v4, v30;
	v19 =	vld.idx.msk [tilespmem:v27+s16+$0x0], vm6  }
0x162: {  	s31 =	sadd.s32 $0x80, s31;
	v17 =	vor.u32 v6, v30;
	v27 =	vor.u32 v5, v30;
	v23 =	vld.idx.msk [tilespmem:v31+s16+$0x0], vm7;
	[tilespmem:v29+s20+$0x0] =	vst.idx.msk vm8, v28  }
0x163: {  	_ =	sdelay $0x2  }
0x164: {  	vm9 =	vmmov vm9;
	_ =	sdelay $0x1  }
0x165: {  	[tilespmem:v9+s20+$0x0] =	vst.idx.msk vm0, v14  }
0x166: {  	[tilespmem:v20+s20+$0x0] =	vst.idx.msk vm1, v15  }
0x167: {  	v9 =	vld.idx.msk [tilespmem:v13+s16+$0x0], vm11;
	[tilespmem:v8+s20+$0x0] =	vst.idx.msk vm3, v12  }
0x168: {  	v11 =	vld.idx.msk [tilespmem:v11+s16+$0x0], vm4;
	[tilespmem:v25+s20+$0x0] =	vst.idx.msk vm2, v16  }
0x169: {  	[tilespmem:v26+s20+$0x0] =	vst.idx.msk vm5, v21;
	v10 =	vld.idx.msk [tilespmem:v10+s16+$0x0], vm9  }
0x16a: {  	[tilespmem:v22+s20+$0x0] =	vst.idx.msk vm6, v19  }
0x16b: {  	[tilespmem:v18+s20+$0x0] =	vst.idx.msk vm7, v23  }
0x16c: {  	[tilespmem:v24+s20+$0x0] =	vst.idx.msk vm11, v9  }
0x16d: {  	[tilespmem:v17+s20+$0x0] =	vst.idx.msk vm4, v11  }
0x16e: {  	[tilespmem:v27+s20+$0x0] =	vst.idx.msk vm9, v10  }
0x16f: {  	_ =	swait.ge [sflag:s24], $0x1000  }
0x170: {  	[sflag:s24] =	ssyncset.done $0x0  }
0x171: {  	s29 =	simm.s32 $0x3070;
	[sflag:s24] =	ssyncadd.s32 $0xFFFFF000  }
0x172: {  	v8 =	vld [tilespmem:s29+$0x0]  }
0x173: {  	v9 =	vld [tilespmem:s29+$0xFFFFFFA0]  }
0x174: {  	v10 =	vld [tilespmem:s29+$0xFFFFFFB0]  }
0x175: {  	v11 =	vld [tilespmem:s29+$0xFFFFFFC0]  }
0x176: {  	v12 =	vld [tilespmem:s29+$0xFFFFFFD0]  }
0x177: {  	v13 =	vld [tilespmem:s29+$0xFFFFFFE0];
	vm6 =	vlt.s32 v8, $0xC380  }
0x178: {  	v14 =	vld [tilespmem:s29+$0xFFFFFFF0];
	v8 =	vnsel vm6, $0x0, v8  }
0x179: {  	s30 =	simm.s32 $0x30F0;
	v16 =	vld [tilespmem:s29+$0xFFFFFF90]  }
0x17a: {  	v22 =	vld [tilespmem:s30+$0x0];
	vm7 =	vlt.s32 v9, $0xC380  }
0x17b: {  	v24 =	vld [tilespmem:s30+$0xFFFFFFA0];
	v9 =	vnsel vm7, $0x0, v9  }
0x17c: {  	vm8 =	vmmov vm11;
	s29 =	simm.s32 $0x0;
	v26 =	vld [tilespmem:s30+$0xFFFFFFB0]  }
0x17d: {  	vm0 =	vmmov vm4;
	vm4 =	vlt.s32 v10, $0xC380;
	v17 =	vld.idx.msk [tilespmem:v8+s16+$0x0], vm6;
	v8 =	vmov s29  }
0x17e: {  	v27 =	vld [tilespmem:s30+$0xFFFFFFC0];
	vm8 =	vlt.s32 v12, $0xC380;
	v10 =	vnsel vm4, $0x0, v10;
	v8 =	vshrl.u32 v8, $0x7  }
0x17f: {  	v29 =	vld [tilespmem:s30+$0xFFFFFFE0];
	vm3 =	vlt.s32 v11, $0xC380;
	v12 =	vnsel vm8, $0x0, v12;
	v8 =	vshll.u32 v8, $0x7  }
0x180: {  	vm1 =	vlt.s32 v16, $0xC380;
	v11 =	vnsel vm3, $0x0, v11;
	v18 =	vld.idx.msk [tilespmem:v9+s16+$0x0], vm7;
	v9 =	vbroadcast v8, $0x0  }
0x181: {  	v28 =	vld [tilespmem:s30+$0xFFFFFFD0];
	vm0 =	vlt.s32 v13, $0xC380;
	vm11 =	vlt.s32 v14, $0xC380;
	vm10 =	vmmov vm1  }
0x182: {  	v30 =	vld [tilespmem:s30+$0xFFFFFFF0];
	vm2 =	vlt.s32 v24, $0xC380;
	v16 =	vnsel vm1, $0x0, v16;
	v15 =	vor.u32 v7, v9  }
0x183: {  	vm5 =	vlt.s32 v26, $0xC380;
	v23 =	vnsel vm0, $0x0, v13;
	v19 =	vld.idx.msk [tilespmem:v10+s16+$0x0], vm4;
	v13 =	vor.u32 v1, v9  }
0x184: {  	vm0 =	vmmov vm0;
	v24 =	vnsel vm2, $0x0, v24;
	v21 =	vld.idx.msk [tilespmem:v12+s16+$0x0], vm8;
	v12 =	vor.u32 v2, v9  }
0x185: {  	vm9 =	vlt.s32 v29, $0xC380;
	v25 =	vnsel vm11, $0x0, v14;
	v20 =	vld.idx.msk [tilespmem:v11+s16+$0x0], vm3;
	v11 =	vor.u32 v3, v9  }
0x186: {  	v32 =	vld [tilespmem:s30+$0xFFFFFF90];
	vm1 =	vlt.s32 v22, $0xC380;
	v26 =	vnsel vm5, $0x0, v26;
	s29 =	simm.s32 $0x80;
	v10 =	vor.u32 v4, v9  }
0x187: {  	v31 =	vnsel vm1, $0x0, v22;
	v22 =	vmov s29;
	v36 =	vld.idx.msk [tilespmem:v16+s16+$0x0], vm10;
	v14 =	vor.u32 v0, v9;
	[tilespmem:v15+s21+$0x0] =	vst.idx.msk vm6, v17  }
0x188: {  	v8 =	vor.u32 v5, v9;
	v17 =	vshrl.u32 v22, $0x7;
	vm6 =	vlt.s32 v27, $0xC380;
	[tilespmem:v13+s21+$0x0] =	vst.idx.msk vm7, v18  }
0x189: {  	v24 =	vld.idx.msk [tilespmem:v24+s16+$0x0], vm2;
	vm7 =	vlt.s32 v28, $0xC380;
	[tilespmem:v12+s21+$0x0] =	vst.idx.msk vm4, v19;
	v16 =	vshll.u32 v17, $0x7;
	v27 =	vnsel vm6, $0x0, v27  }
0x18a: {  	v9 =	vor.u32 v6, v9;
	v22 =	vld.idx.msk [tilespmem:v23+s16+$0x0], vm0;
	[tilespmem:v11+s21+$0x0] =	vst.idx.msk vm3, v20;
	v35 =	vnsel vm7, $0x0, v28;
	v19 =	vbroadcast v16, $0x0  }
0x18b: {  	v18 =	vld.idx.msk [tilespmem:v25+s16+$0x0], vm11;
	vm3 =	vmmov vm11;
	vm4 =	vlt.s32 v30, $0xC380;
	[tilespmem:v10+s21+$0x0] =	vst.idx.msk vm8, v21;
	vm11 =	vlt.s32 v32, $0xC380;
	v20 =	vmovc v8  }
0x18c: {  	v23 =	vld.idx.msk [tilespmem:v31+s16+$0x0], vm1;
	[tilespmem:v14+s21+$0x0] =	vst.idx.msk vm10, v36;
	v17 =	vnsel vm4, $0x0, v30;
	v21 =	vnsel vm11, $0x0, v32;
	v28 =	vor.u32 v7, v19  }
0x18d: {  	v16 =	vnsel vm9, $0x0, v29;
	v29 =	vld.idx.msk [tilespmem:v26+s16+$0x0], vm5;
	v32 =	vor.u32 v0, v19;
	v33 =	vor.u32 v1, v19  }
0x18e: {  	v34 =	vor.u32 v2, v19;
	v30 =	vor.u32 v3, v19;
	v26 =	vor.u32 v4, v19;
	v27 =	vld.idx.msk [tilespmem:v27+s16+$0x0], vm6  }
0x18f: {  	s31 =	simm.s32 $0x3170;
	s30 =	simm.s32 $0x8;
	v25 =	vor.u32 v6, v19;
	v31 =	vld.idx.msk [tilespmem:v35+s16+$0x0], vm7;
	v35 =	vor.u32 v5, v19;
	v19 =	vmov v9  }
.LBB2_13:
0x190: {  	v36 =	vld [tilespmem:s31+$0x0];
	s30 =	sadd.s32 $0x8, s30;
	[tilespmem:v20+s21+$0x0] =	vst.idx.msk vm0, v22;
	v37 =	vmovc v32;
	v20 =	vmov v35;
	vm0 =	vmmov vm9;
	vm8 =	vmmov vm11  }
0x191: {  	v22 =	vld [tilespmem:s31+$0xFFFFFFA0];
	p1 =	slt.u32 s30, $0xF8;
	[tilespmem:v28+s21+$0x0] =	vst.idx.msk vm1, v23  }
0x192: {  	v23 =	vld [tilespmem:s31+$0xFFFFFFB0];
	[tilespmem:v33+s21+$0x0] =	vst.idx.msk vm2, v24  }
0x193: {  	v24 =	vld [tilespmem:s31+$0xFFFFFFC0];
	[tilespmem:v34+s21+$0x0] =	vst.idx.msk vm5, v29  }
0x194: {  	v28 =	vld [tilespmem:s31+$0xFFFFFFD0];
	[tilespmem:v30+s21+$0x0] =	vst.idx.msk vm6, v27  }
0x195: {  	v27 =	vld [tilespmem:s31+$0xFFFFFFE0];
	vm1 =	vlt.s32 v36, $0xC380;
	[tilespmem:v26+s21+$0x0] =	vst.idx.msk vm7, v31  }
0x196: {  	s29 =	sadd.s32 $0x80, s29;
	vm2 =	vlt.s32 v22, $0xC380;
	v26 =	vld [tilespmem:s31+$0xFFFFFFF0];
	v29 =	vnsel vm1, $0x0, v36;
	[tilespmem:v19+s21+$0x0] =	vst.idx.msk vm3, v18;
	v19 =	vmovc v25;
	vm3 =	vmmov vm4  }
0x197: {  	v18 =	vmov s29;
	v25 =	vld [tilespmem:s31+$0xFFFFFF90];
	v30 =	vnsel vm2, $0x0, v22;
	vm5 =	vlt.s32 v23, $0xC380  }
0x198: {  	v18 =	vshrl.u32 v18, $0x7;
	v31 =	vnsel vm5, $0x0, v23;
	vm6 =	vlt.s32 v24, $0xC380;
	v36 =	vld.idx.msk [tilespmem:v21+s16+$0x0], vm11  }
0x199: {  	v18 =	vshll.u32 v18, $0x7;
	v35 =	vnsel vm6, $0x0, v24;
	vm7 =	vlt.s32 v28, $0xC380;
	v22 =	vld.idx.msk [tilespmem:v16+s16+$0x0], vm9  }
0x19a: {  	v38 =	vbroadcast v18, $0x0;
	v39 =	vnsel vm7, $0x0, v28;
	vm9 =	vlt.s32 v27, $0xC380;
	v18 =	vld.idx.msk [tilespmem:v17+s16+$0x0], vm4  }
.Ltmp9:
0x19b: {  	v16 =	vnsel vm9, $0x0, v27;
	vm4 =	vlt.s32 v26, $0xC380;
	v23 =	vld.idx.msk [tilespmem:v29+s16+$0x0], vm1;
	(pc) =	sbr.rel @p1 .LBB2_13-.Ltmp9, $4  }
0x19c: {  	v28 =	vor.u32 v7, v38;
	vm11 =	vlt.s32 v25, $0xC380;
	v24 =	vld.idx.msk [tilespmem:v30+s16+$0x0], vm2;
	v17 =	vnsel vm4, $0x0, v26  }
0x19d: {  	v32 =	vor.u32 v0, v38;
	v33 =	vor.u32 v1, v38;
	v21 =	vnsel vm11, $0x0, v25;
	v29 =	vld.idx.msk [tilespmem:v31+s16+$0x0], vm5  }
0x19e: {  	v34 =	vor.u32 v2, v38;
	v30 =	vor.u32 v3, v38;
	v26 =	vor.u32 v4, v38;
	v27 =	vld.idx.msk [tilespmem:v35+s16+$0x0], vm6  }
0x19f: {  	s31 =	sadd.s32 $0x80, s31;
	v25 =	vor.u32 v6, v38;
	v35 =	vor.u32 v5, v38;
	v31 =	vld.idx.msk [tilespmem:v39+s16+$0x0], vm7;
	[tilespmem:v37+s21+$0x0] =	vst.idx.msk vm8, v36  }
0x1a0: {  	_ =	sdelay $0x2  }
0x1a1: {  	vm9 =	vmmov vm9;
	_ =	sdelay $0x1  }
0x1a2: {  	[tilespmem:v20+s21+$0x0] =	vst.idx.msk vm0, v22  }
0x1a3: {  	[tilespmem:v28+s21+$0x0] =	vst.idx.msk vm1, v23  }
0x1a4: {  	v20 =	vld.idx.msk [tilespmem:v21+s16+$0x0], vm11;
	[tilespmem:v19+s21+$0x0] =	vst.idx.msk vm3, v18  }
0x1a5: {  	v17 =	vld.idx.msk [tilespmem:v17+s16+$0x0], vm4;
	[tilespmem:v33+s21+$0x0] =	vst.idx.msk vm2, v24  }
0x1a6: {  	[tilespmem:v34+s21+$0x0] =	vst.idx.msk vm5, v29;
	v16 =	vld.idx.msk [tilespmem:v16+s16+$0x0], vm9  }
0x1a7: {  	[tilespmem:v30+s21+$0x0] =	vst.idx.msk vm6, v27  }
0x1a8: {  	[tilespmem:v26+s21+$0x0] =	vst.idx.msk vm7, v31  }
0x1a9: {  	[tilespmem:v32+s21+$0x0] =	vst.idx.msk vm11, v20  }
0x1aa: {  	[tilespmem:v25+s21+$0x0] =	vst.idx.msk vm4, v17  }
0x1ab: {  	s29 =	simm.s32 $0x2070;
	[tilespmem:v35+s21+$0x0] =	vst.idx.msk vm9, v16  }
0x1ac: {  	v16 =	vld [tilespmem:s29+$0x0]  }
0x1ad: {  	v17 =	vld [tilespmem:s29+$0xFFFFFFA0]  }
0x1ae: {  	v18 =	vld [tilespmem:s29+$0xFFFFFFB0]  }
0x1af: {  	v20 =	vld [tilespmem:s29+$0xFFFFFFD0]  }
0x1b0: {  	v21 =	vld [tilespmem:s29+$0xFFFFFFE0]  }
0x1b1: {  	v22 =	vld [tilespmem:s29+$0xFFFFFF90]  }
0x1b2: {  	v23 =	vld [tilespmem:s29+$0xFFFFFFF0]  }
0x1b3: {  	v19 =	vld [tilespmem:s29+$0xFFFFFFC0];
	s29 =	simm.s32 $0x20F0  }
0x1b4: {  	vm8 =	vmmov vm11;
	vm0 =	vmmov vm4;
	v32 =	vld [tilespmem:s29+$0x0]  }
0x1b5: {  	vm0 =	vgt.s32 v16, $0xC380;
	vm6 =	vgt.s32 v16, $0xC37F;
	vm1 =	vgt.s32 v18, $0xC380  }
0x1b6: {  	vm8 =	vgt.s32 v22, $0xC37F;
	vm7 =	vgt.s32 v17, $0xC37F;
	vm2 =	vgt.s32 v20, $0xC37F  }
0x1b7: {  	vm5 =	vgt.s32 v21, $0xC37F;
	vm4 =	vgt.s32 v23, $0xC37F;
	v16 =	vnsel vm0, $0xC380, v16  }
0x1b8: {  	vm0 =	vgt.s32 v17, $0xC380;
	v25 =	vnsel vm1, $0xC380, v18;
	vm1 =	vgt.s32 v21, $0xC380  }
0x1b9: {  	vm13 =	vgt.s32 v32, $0xC380;
	vm2 =	vmmov vm2;
	v16 =	vadd.s32 $0xFFFF3C80, v16  }
0x1ba: {  	v36 =	vld [tilespmem:s29+$0xFFFFFF90];
	v24 =	vnsel vm0, $0xC380, v17;
	vm0 =	vgt.s32 v19, $0xC380;
	v28 =	vnsel vm1, $0xC380, v21  }
0x1bb: {  	vm1 =	vgt.s32 v23, $0xC380;
	v25 =	vadd.s32 $0xFFFF3C80, v25;
	v17 =	vld [tilespmem:s29+$0xFFFFFFB0];
	v26 =	vnsel vm0, $0xC380, v19  }
0x1bc: {  	vm0 =	vgt.s32 v20, $0xC380;
	v30 =	vnsel vm1, $0xC380, v23;
	vm1 =	vgt.s32 v18, $0xC37F;
	v18 =	vld [tilespmem:s29+$0xFFFFFFC0]  }
0x1bd: {  	v21 =	vnsel vm13, $0xC380, v32;
	v24 =	vadd.s32 $0xFFFF3C80, v24;
	v27 =	vnsel vm0, $0xC380, v20;
	v20 =	vld [tilespmem:s29+$0xFFFFFFE0]  }
0x1be: {  	v62 =	vadd.s32 $0xFFFF3C80, v28;
	v21 =	vadd.s32 $0xFFFF3C80, v21;
	vm0 =	vgt.s32 v22, $0xC380;
	v29 =	vld.idx.msk [tilespmem:v16+s18+$0x0], vm6  }
0x1bf: {  	v61 =	vadd.s32 $0xFFFF3C80, v26;
	v16 =	vnsel vm0, $0xC380, v22;
	vm0 =	vgt.s32 v19, $0xC37F;
	v19 =	vld [tilespmem:s29+$0xFFFFFFD0]  }
0x1c0: {  	v63 =	vadd.s32 $0xFFFF3C80, v30;
	v27 =	vadd.s32 $0xFFFF3C80, v27;
	v22 =	vld [tilespmem:s29+$0xFFFFFFF0];
	v31 =	vadd.s32 $0xFFFF3C80, v16  }
0x1c1: {  	vm14 =	vgt.s32 v17, $0xC380;
	v16 =	vld [tilespmem:s29+$0xFFFFFFA0];
	vm3 =	vmmov vm0;
	vm0 =	vmmov vm5  }
0x1c2: {  	vm5 =	vgt.s32 v32, $0xC37F;
	s29 =	simm.s32 $0x80;
	v28 =	vnsel vm14, $0xC380, v17;
	vm15 =	vgt.s32 v18, $0xC380;
	v39 =	vld.idx.msk [tilespmem:v24+s18+$0x0], vm7  }
0x1c3: {  	v26 =	vmov s29;
	v38 =	vnsel vm15, $0xC380, v18;
	vm13 =	vgt.s32 v20, $0xC380  }
0x1c4: {  	v32 =	vld.idx.msk [tilespmem:v25+s18+$0x0], vm1;
	vm15 =	vgt.s32 v36, $0xC380;
	v26 =	vshrl.u32 v26, $0x7;
	v41 =	vnsel vm13, $0xC380, v20  }
0x1c5: {  	v25 =	vadd.s32 $0xFFFF3C80, v38;
	v24 =	vshll.u32 v26, $0x7;
	vm12 =	vgt.s32 v19, $0xC380;
	v37 =	vld.idx.msk [tilespmem:v31+s18+$0x0], vm8  }
0x1c6: {  	v26 =	vbroadcast v24, $0x0;
	vm14 =	vgt.s32 v22, $0xC380;
	[tilespmem:v15+s20+$0x0] =	vst.idx.msk vm6, v29;
	v24 =	vadd.s32 $0xFFFF3C80, v28;
	v28 =	vld.idx.msk [tilespmem:v27+s18+$0x0], vm2  }
0x1c7: {  	v15 =	vnsel vm15, $0xC380, v36;
	vm6 =	vgt.s32 v36, $0xC37F;
	vm10 =	vgt.s32 v16, $0xC380;
	[tilespmem:v13+s20+$0x0] =	vst.idx.msk vm7, v39;
	v13 =	vld.idx.msk [tilespmem:v63+s18+$0x0], vm4  }
0x1c8: {  	v40 =	vnsel vm12, $0xC380, v19;
	v42 =	vnsel vm14, $0xC380, v22;
	v27 =	vadd.s32 $0xFFFF3C80, v15;
	v30 =	vld.idx.msk [tilespmem:v61+s18+$0x0], vm3  }
0x1c9: {  	v23 =	vnsel vm10, $0xC380, v16;
	v31 =	vld.idx.msk [tilespmem:v21+s18+$0x0], vm5;
	v33 =	vor.u32 v7, v26;
	v15 =	vadd.s32 $0xFFFF3C80, v40  }
0x1ca: {  	s30 =	simm.s32 $0x8;
	s31 =	simm.s32 $0x2170;
	v29 =	vld.idx.msk [tilespmem:v62+s18+$0x0], vm0;
	v21 =	vadd.s32 $0xFFFF3C80, v41;
	v23 =	vadd.s32 $0xFFFF3C80, v23;
	[tilespmem:v14+s20+$0x0] =	vst.idx.msk vm8, v37;
	v14 =	vadd.s32 $0xFFFF3C80, v42  }
.LBB2_15:
0x1cb: {  	vm7 =	vgt.s32 v16, $0xC37F  }
0x1cc: {  	v34 =	vld [tilespmem:s31+$0x0];
	s30 =	sadd.s32 $0x8, s30;
	vm9 =	vgt.s32 v18, $0xC37F;
	[tilespmem:v12+s20+$0x0] =	vst.idx.msk vm1, v32;
	vm1 =	vgt.s32 v17, $0xC37F;
	vm8 =	vmmov vm4  }
0x1cd: {  	vm10 =	vgt.s32 v19, $0xC37F;
	vm11 =	vgt.s32 v20, $0xC37F;
	vm4 =	vgt.s32 v22, $0xC37F;
	v16 =	vld [tilespmem:s31+$0xFFFFFFA0];
	p1 =	slt.u32 s30, $0xF8;
	[tilespmem:v11+s20+$0x0] =	vst.idx.msk vm3, v30  }
0x1ce: {  	v35 =	vor.u32 v0, v26;
	v36 =	vor.u32 v1, v26;
	vm3 =	vmmov vm9;
	v17 =	vld [tilespmem:s31+$0xFFFFFFB0];
	[tilespmem:v33+s20+$0x0] =	vst.idx.msk vm5, v31  }
0x1cf: {  	v12 =	vor.u32 v2, v26;
	v20 =	vor.u32 v4, v26;
	v11 =	vor.u32 v3, v26;
	v18 =	vld [tilespmem:s31+$0xFFFFFFC0]  }
0x1d0: {  	v22 =	vor.u32 v5, v26;
	v26 =	vor.u32 v6, v26;
	v19 =	vld [tilespmem:s31+$0xFFFFFFD0];
	[tilespmem:v10+s20+$0x0] =	vst.idx.msk vm2, v28;
	v10 =	vmov v20  }
0x1d1: {  	vm2 =	vmmov vm10;
	v20 =	vld [tilespmem:s31+$0xFFFFFFE0];
	vm9 =	vgt.s32 v34, $0xC380;
	[tilespmem:v8+s20+$0x0] =	vst.idx.msk vm0, v29;
	v8 =	vmovc v22;
	vm0 =	vmmov vm11  }
0x1d2: {  	vm5 =	vgt.s32 v34, $0xC37F;
	vm10 =	vgt.s32 v16, $0xC380;
	v22 =	vld [tilespmem:s31+$0xFFFFFFF0];
	v28 =	vnsel vm9, $0xC380, v34;
	[tilespmem:v9+s20+$0x0] =	vst.idx.msk vm8, v13;
	v9 =	vmovc v26  }
0x1d3: {  	s29 =	sadd.s32 $0x80, s29;
	v13 =	vld [tilespmem:s31+$0xFFFFFF90];
	v29 =	vnsel vm10, $0xC380, v16;
	vm8 =	vgt.s32 v17, $0xC380;
	v28 =	vadd.s32 $0xFFFF3C80, v28  }
0x1d4: {  	v26 =	vmov s29;
	v33 =	vnsel vm8, $0xC380, v17;
	vm8 =	vgt.s32 v18, $0xC380;
	v34 =	vld.idx.msk [tilespmem:v27+s18+$0x0], vm6  }
0x1d5: {  	v26 =	vshrl.u32 v26, $0x7;
	v37 =	vnsel vm8, $0xC380, v18;
	vm8 =	vgt.s32 v19, $0xC380;
	v38 =	vld.idx.msk [tilespmem:v23+s18+$0x0], vm7  }
0x1d6: {  	v23 =	vshll.u32 v26, $0x7;
	v39 =	vnsel vm8, $0xC380, v19;
	vm8 =	vgt.s32 v20, $0xC380;
	v32 =	vld.idx.msk [tilespmem:v24+s18+$0x0], vm1  }
.Ltmp10:
0x1d7: {  	v26 =	vbroadcast v23, $0x0;
	v40 =	vnsel vm8, $0xC380, v20;
	vm8 =	vgt.s32 v22, $0xC380;
	v30 =	vld.idx.msk [tilespmem:v25+s18+$0x0], vm3;
	(pc) =	sbr.rel @p1 .LBB2_15-.Ltmp10, $4  }
0x1d8: {  	v23 =	vadd.s32 $0xFFFF3C80, v29;
	vm9 =	vgt.s32 v13, $0xC380;
	v41 =	vnsel vm8, $0xC380, v22;
	v31 =	vld.idx.msk [tilespmem:v28+s18+$0x0], vm5  }
0x1d9: {  	v24 =	vadd.s32 $0xFFFF3C80, v33;
	v33 =	vor.u32 v7, v26;
	v25 =	vnsel vm9, $0xC380, v13;
	v28 =	vld.idx.msk [tilespmem:v15+s18+$0x0], vm2  }
0x1da: {  	v15 =	vadd.s32 $0xFFFF3C80, v39;
	v27 =	vadd.s32 $0xFFFF3C80, v25;
	v25 =	vadd.s32 $0xFFFF3C80, v37;
	[tilespmem:v35+s20+$0x0] =	vst.idx.msk vm6, v34;
	v29 =	vld.idx.msk [tilespmem:v21+s18+$0x0], vm11  }
0x1db: {  	s31 =	sadd.s32 $0x80, s31;
	vm6 =	vgt.s32 v13, $0xC37F;
	v21 =	vadd.s32 $0xFFFF3C80, v40;
	[tilespmem:v36+s20+$0x0] =	vst.idx.msk vm7, v38;
	v13 =	vld.idx.msk [tilespmem:v14+s18+$0x0], vm4;
	v14 =	vadd.s32 $0xFFFF3C80, v41  }
0x1dc: {  	_ =	sdelay $0x2  }
0x1dd: {  	vm7 =	vgt.s32 v16, $0xC37F  }
0x1de: {  	vm8 =	vgt.s32 v17, $0xC37F  }
0x1df: {  	vm9 =	vgt.s32 v18, $0xC37F;
	[tilespmem:v12+s20+$0x0] =	vst.idx.msk vm1, v32;
	vm15 =	vgt.s32 v22, $0xC37F  }
0x1e0: {  	vm10 =	vgt.s32 v19, $0xC37F;
	[tilespmem:v11+s20+$0x0] =	vst.idx.msk vm3, v30;
	v11 =	vor.u32 v0, v26;
	v12 =	vld.idx.msk [tilespmem:v27+s18+$0x0], vm6;
	vm9 =	vmmov vm9  }
0x1e1: {  	vm4 =	vmmov vm4;
	vm11 =	vgt.s32 v20, $0xC37F;
	vm10 =	vmmov vm10  }
0x1e2: {  	vm1 =	vmmov vm11  }
0x1e3: {  	v16 =	vor.u32 v1, v26;
	[tilespmem:v33+s20+$0x0] =	vst.idx.msk vm5, v31;
	v17 =	vld.idx.msk [tilespmem:v23+s18+$0x0], vm7  }
0x1e4: {  	v18 =	vor.u32 v2, v26;
	[tilespmem:v10+s20+$0x0] =	vst.idx.msk vm2, v28;
	v10 =	vld.idx.msk [tilespmem:v24+s18+$0x0], vm8  }
0x1e5: {  	[tilespmem:v11+s20+$0x0] =	vst.idx.msk vm6, v12;
	v12 =	vor.u32 v6, v26;
	v14 =	vld.idx.msk [tilespmem:v14+s18+$0x0], vm15  }
0x1e6: {  	v19 =	vor.u32 v3, v26;
	[tilespmem:v8+s20+$0x0] =	vst.idx.msk vm0, v29;
	v8 =	vld.idx.msk [tilespmem:v25+s18+$0x0], vm9  }
0x1e7: {  	v20 =	vor.u32 v4, v26;
	[tilespmem:v9+s20+$0x0] =	vst.idx.msk vm4, v13;
	v9 =	vld.idx.msk [tilespmem:v15+s18+$0x0], vm10  }
0x1e8: {  	v13 =	vor.u32 v5, v26;
	v11 =	vld.idx.msk [tilespmem:v21+s18+$0x0], vm1;
	[tilespmem:v16+s20+$0x0] =	vst.idx.msk vm7, v17  }
0x1e9: {  	[tilespmem:v18+s20+$0x0] =	vst.idx.msk vm8, v10  }
0x1ea: {  	[tilespmem:v12+s20+$0x0] =	vst.idx.msk vm15, v14  }
0x1eb: {  	[tilespmem:v19+s20+$0x0] =	vst.idx.msk vm9, v8  }
0x1ec: {  	[tilespmem:v20+s20+$0x0] =	vst.idx.msk vm10, v9  }
0x1ed: {  	s28 =	sadd.s32 $0x2000, s28;
	[tilespmem:v13+s20+$0x0] =	vst.idx.msk vm1, v11  }
0x1ee: {  	[hbm4b:s28+s14] =	stream.strided.scatter [tilespmem:s20], [sflag:$0x3], $0x1000, s15, s14, $0x38;
	[tilespmem:$0x1E700] =	vst v63  }
0x1ef: {  	s28 =	simm.s32 $0x3070  }
0x1f0: {  	v8 =	vld [tilespmem:s28+$0x0]  }
0x1f1: {  	v9 =	vld [tilespmem:s28+$0xFFFFFFA0]  }
0x1f2: {  	s29 =	simm.s32 $0x0;
	v10 =	vld [tilespmem:s28+$0xFFFFFFB0]  }
0x1f3: {  	v17 =	vmov s29;
	v12 =	vld [tilespmem:s28+$0xFFFFFFD0]  }
0x1f4: {  	v17 =	vshrl.u32 v17, $0x7;
	v13 =	vld [tilespmem:s28+$0xFFFFFFE0]  }
0x1f5: {  	v17 =	vshll.u32 v17, $0x7;
	v15 =	vld [tilespmem:s28+$0xFFFFFF90]  }
0x1f6: {  	v14 =	vld [tilespmem:s28+$0xFFFFFFF0];
	v17 =	vbroadcast v17, $0x0  }
0x1f7: {  	v11 =	vld [tilespmem:s28+$0xFFFFFFC0];
	s28 =	simm.s32 $0x30F0  }
0x1f8: {  	vm0 =	vmmov vm15;
	v25 =	vld [tilespmem:s28+$0x0];
	v24 =	vor.u32 v7, v17;
	v34 =	vor.u32 v0, v17  }
0x1f9: {  	v35 =	vor.u32 v1, v17;
	vm0 =	vgt.s32 v8, $0xC380;
	vm1 =	vgt.s32 v9, $0xC380  }
0x1fa: {  	vm6 =	vgt.s32 v8, $0xC37F;
	vm8 =	vgt.s32 v15, $0xC37F;
	vm7 =	vgt.s32 v9, $0xC37F  }
0x1fb: {  	vm4 =	vgt.s32 v12, $0xC37F;
	vm5 =	vgt.s32 v13, $0xC37F;
	vm3 =	vgt.s32 v14, $0xC37F  }
0x1fc: {  	v8 =	vnsel vm0, $0xC380, v8;
	v16 =	vnsel vm1, $0xC380, v9;
	vm0 =	vgt.s32 v10, $0xC380  }
0x1fd: {  	vm1 =	vgt.s32 v11, $0xC380;
	v9 =	vor.u32 v5, v17;
	vm12 =	vgt.s32 v25, $0xC380  }
0x1fe: {  	vm4 =	vmmov vm4;
	v8 =	vadd.s32 $0xFFFF3C80, v8;
	v18 =	vnsel vm0, $0xC380, v10  }
0x1ff: {  	v19 =	vnsel vm1, $0xC380, v11;
	vm0 =	vgt.s32 v12, $0xC380;
	vm1 =	vgt.s32 v13, $0xC380  }
0x200: {  	v36 =	vld [tilespmem:s28+$0xFFFFFF90];
	v22 =	vadd.s32 $0xFFFF3C80, v16;
	v20 =	vnsel vm0, $0xC380, v12;
	v21 =	vnsel vm1, $0xC380, v13  }
0x201: {  	vm0 =	vgt.s32 v14, $0xC380;
	vm1 =	vgt.s32 v15, $0xC380;
	v18 =	vadd.s32 $0xFFFF3C80, v18;
	v13 =	vld [tilespmem:s28+$0xFFFFFFB0]  }
0x202: {  	v19 =	vadd.s32 $0xFFFF3C80, v19;
	v23 =	vnsel vm1, $0xC380, v15;
	vm1 =	vgt.s32 v11, $0xC37F;
	v11 =	vld [tilespmem:s28+$0xFFFFFFA0]  }
0x203: {  	v12 =	vor.u32 v3, v17;
	v16 =	vnsel vm0, $0xC380, v14;
	v20 =	vadd.s32 $0xFFFF3C80, v20;
	v15 =	vld [tilespmem:s28+$0xFFFFFFC0]  }
0x204: {  	v28 =	vadd.s32 $0xFFFF3C80, v21;
	vm0 =	vgt.s32 v10, $0xC37F;
	v14 =	vor.u32 v2, v17;
	v21 =	vld [tilespmem:s28+$0xFFFFFFF0]  }
0x205: {  	v23 =	vadd.s32 $0xFFFF3C80, v23;
	v31 =	vadd.s32 $0xFFFF3C80, v16;
	vm2 =	vmmov vm1;
	v16 =	vld [tilespmem:s28+$0xFFFFFFD0]  }
0x206: {  	vm1 =	vmmov vm5;
	vm5 =	vgt.s32 v25, $0xC37F;
	v25 =	vnsel vm12, $0xC380, v25;
	v26 =	vld.idx.msk [tilespmem:v8+s18+$0x0], vm6  }
0x207: {  	v10 =	vor.u32 v4, v17;
	v30 =	vadd.s32 $0xFFFF3C80, v25;
	v8 =	vor.u32 v6, v17;
	v17 =	vld [tilespmem:s28+$0xFFFFFFE0];
	s28 =	simm.s32 $0x80  }
0x208: {  	vm14 =	vgt.s32 v13, $0xC380;
	v25 =	vmov s28;
	vm13 =	vgt.s32 v11, $0xC380  }
0x209: {  	v39 =	vld.idx.msk [tilespmem:v22+s18+$0x0], vm7;
	v63 =	vnsel vm14, $0xC380, v13;
	vm15 =	vgt.s32 v15, $0xC380;
	vm14 =	vgt.s32 v21, $0xC380  }
0x20a: {  	v27 =	vnsel vm13, $0xC380, v11;
	v37 =	vld.idx.msk [tilespmem:v23+s18+$0x0], vm8;
	v23 =	vshrl.u32 v25, $0x7;
	v38 =	vnsel vm15, $0xC380, v15  }
0x20b: {  	vm12 =	vgt.s32 v16, $0xC380;
	v32 =	vld.idx.msk [tilespmem:v18+s18+$0x0], vm0;
	vm15 =	vgt.s32 v36, $0xC380;
	v41 =	vnsel vm14, $0xC380, v21  }
0x20c: {  	v22 =	vshll.u32 v23, $0x7;
	v40 =	vnsel vm12, $0xC380, v16;
	v29 =	vld.idx.msk [tilespmem:v19+s18+$0x0], vm2;
	v19 =	vnsel vm15, $0xC380, v36  }
0x20d: {  	v31 =	vld.idx.msk [tilespmem:v31+s18+$0x0], vm3;
	v23 =	vadd.s32 $0xFFFF3C80, v63;
	vm13 =	vgt.s32 v17, $0xC380;
	v25 =	vbroadcast v22, $0x0  }
0x20e: {  	v30 =	vld.idx.msk [tilespmem:v30+s18+$0x0], vm5;
	v22 =	vadd.s32 $0xFFFF3C80, v27;
	[tilespmem:v24+s21+$0x0] =	vst.idx.msk vm6, v26;
	v26 =	vadd.s32 $0xFFFF3C80, v19;
	v24 =	vadd.s32 $0xFFFF3C80, v38  }
0x20f: {  	v28 =	vld.idx.msk [tilespmem:v28+s18+$0x0], vm1;
	v19 =	vadd.s32 $0xFFFF3C80, v40;
	[tilespmem:v35+s21+$0x0] =	vst.idx.msk vm7, v39;
	v18 =	vnsel vm13, $0xC380, v17;
	v33 =	vor.u32 v7, v25  }
0x210: {  	s30 =	simm.s32 $0x3170;
	s29 =	simm.s32 $0x8;
	v27 =	vld.idx.msk [tilespmem:v20+s18+$0x0], vm4;
	vm6 =	vgt.s32 v36, $0xC37F;
	v20 =	vadd.s32 $0xFFFF3C80, v18;
	v18 =	vadd.s32 $0xFFFF3C80, v41;
	[tilespmem:v34+s21+$0x0] =	vst.idx.msk vm8, v37  }
.LBB2_17:
0x211: {  	vm7 =	vgt.s32 v11, $0xC37F  }
0x212: {  	v34 =	vld [tilespmem:s30+$0x0];
	s29 =	sadd.s32 $0x8, s29;
	vm9 =	vgt.s32 v15, $0xC37F;
	[tilespmem:v14+s21+$0x0] =	vst.idx.msk vm0, v32;
	vm0 =	vgt.s32 v13, $0xC37F;
	vm8 =	vmmov vm3  }
0x213: {  	vm10 =	vgt.s32 v16, $0xC37F;
	vm11 =	vgt.s32 v17, $0xC37F;
	vm3 =	vgt.s32 v21, $0xC37F;
	v11 =	vld [tilespmem:s30+$0xFFFFFFA0];
	p1 =	slt.u32 s29, $0xF8;
	[tilespmem:v12+s21+$0x0] =	vst.idx.msk vm2, v29  }
0x214: {  	v35 =	vor.u32 v0, v25;
	v36 =	vor.u32 v1, v25;
	vm2 =	vmmov vm9;
	v13 =	vld [tilespmem:s30+$0xFFFFFFB0];
	[tilespmem:v33+s21+$0x0] =	vst.idx.msk vm5, v30  }
0x215: {  	v14 =	vor.u32 v2, v25;
	v17 =	vor.u32 v4, v25;
	v12 =	vor.u32 v3, v25;
	v15 =	vld [tilespmem:s30+$0xFFFFFFC0]  }
0x216: {  	v21 =	vor.u32 v5, v25;
	v25 =	vor.u32 v6, v25;
	v16 =	vld [tilespmem:s30+$0xFFFFFFD0];
	[tilespmem:v10+s21+$0x0] =	vst.idx.msk vm4, v27;
	v10 =	vmov v17  }
0x217: {  	vm4 =	vmmov vm10;
	v17 =	vld [tilespmem:s30+$0xFFFFFFE0];
	vm9 =	vgt.s32 v34, $0xC380;
	[tilespmem:v9+s21+$0x0] =	vst.idx.msk vm1, v28;
	v9 =	vmovc v21;
	vm1 =	vmmov vm11  }
0x218: {  	vm5 =	vgt.s32 v34, $0xC37F;
	vm10 =	vgt.s32 v11, $0xC380;
	v21 =	vld [tilespmem:s30+$0xFFFFFFF0];
	v27 =	vnsel vm9, $0xC380, v34;
	[tilespmem:v8+s21+$0x0] =	vst.idx.msk vm8, v31;
	v8 =	vmovc v25  }
0x219: {  	s28 =	sadd.s32 $0x80, s28;
	v31 =	vld [tilespmem:s30+$0xFFFFFF90];
	v28 =	vnsel vm10, $0xC380, v11;
	vm8 =	vgt.s32 v13, $0xC380;
	v27 =	vadd.s32 $0xFFFF3C80, v27  }
0x21a: {  	v25 =	vmov s28;
	v33 =	vnsel vm8, $0xC380, v13;
	vm8 =	vgt.s32 v15, $0xC380;
	v34 =	vld.idx.msk [tilespmem:v26+s18+$0x0], vm6  }
0x21b: {  	v25 =	vshrl.u32 v25, $0x7;
	v37 =	vnsel vm8, $0xC380, v15;
	vm8 =	vgt.s32 v16, $0xC380;
	v38 =	vld.idx.msk [tilespmem:v22+s18+$0x0], vm7  }
0x21c: {  	v22 =	vshll.u32 v25, $0x7;
	v39 =	vnsel vm8, $0xC380, v16;
	vm8 =	vgt.s32 v17, $0xC380;
	v32 =	vld.idx.msk [tilespmem:v23+s18+$0x0], vm0  }
.Ltmp11:
0x21d: {  	v25 =	vbroadcast v22, $0x0;
	v40 =	vnsel vm8, $0xC380, v17;
	vm8 =	vgt.s32 v21, $0xC380;
	v29 =	vld.idx.msk [tilespmem:v24+s18+$0x0], vm2;
	(pc) =	sbr.rel @p1 .LBB2_17-.Ltmp11, $4  }
0x21e: {  	v22 =	vadd.s32 $0xFFFF3C80, v28;
	vm9 =	vgt.s32 v31, $0xC380;
	v41 =	vnsel vm8, $0xC380, v21;
	v30 =	vld.idx.msk [tilespmem:v27+s18+$0x0], vm5  }
0x21f: {  	v23 =	vadd.s32 $0xFFFF3C80, v33;
	v33 =	vor.u32 v7, v25;
	v24 =	vnsel vm9, $0xC380, v31;
	v27 =	vld.idx.msk [tilespmem:v19+s18+$0x0], vm4  }
0x220: {  	v19 =	vadd.s32 $0xFFFF3C80, v39;
	v26 =	vadd.s32 $0xFFFF3C80, v24;
	v24 =	vadd.s32 $0xFFFF3C80, v37;
	[tilespmem:v35+s21+$0x0] =	vst.idx.msk vm6, v34;
	v28 =	vld.idx.msk [tilespmem:v20+s18+$0x0], vm11  }
0x221: {  	s30 =	sadd.s32 $0x80, s30;
	vm6 =	vgt.s32 v31, $0xC37F;
	v20 =	vadd.s32 $0xFFFF3C80, v40;
	[tilespmem:v36+s21+$0x0] =	vst.idx.msk vm7, v38;
	v31 =	vld.idx.msk [tilespmem:v18+s18+$0x0], vm3;
	v18 =	vadd.s32 $0xFFFF3C80, v41  }
0x222: {  	_ = 	snop  }
0x223: {  	vm7 =	vgt.s32 v11, $0xC37F  }
0x224: {  	vm8 =	vgt.s32 v13, $0xC37F  }
0x225: {  	vm9 =	vgt.s32 v15, $0xC37F;
	vm14 =	vgt.s32 v21, $0xC37F  }
0x226: {  	vm10 =	vgt.s32 v16, $0xC37F;
	vm3 =	vmmov vm3;
	vm9 =	vmmov vm9  }
0x227: {  	vm11 =	vgt.s32 v17, $0xC37F;
	[tilespmem:v14+s21+$0x0] =	vst.idx.msk vm0, v32;
	v51 =	vor.u32 v0, v25;
	v52 =	vld.idx.msk [tilespmem:v26+s18+$0x0], vm6;
	vm10 =	vmmov vm10  }
0x228: {  	[tilespmem:v12+s21+$0x0] =	vst.idx.msk vm2, v29;
	vm13 =	vmmov vm11  }
0x229: {  	v53 =	vor.u32 v1, v25;
	[tilespmem:v33+s21+$0x0] =	vst.idx.msk vm5, v30;
	v54 =	vld.idx.msk [tilespmem:v22+s18+$0x0], vm7  }
0x22a: {  	v55 =	vor.u32 v2, v25;
	[tilespmem:v10+s21+$0x0] =	vst.idx.msk vm4, v27;
	v56 =	vld.idx.msk [tilespmem:v23+s18+$0x0], vm8  }
0x22b: {  	v62 =	vor.u32 v6, v25;
	[tilespmem:v9+s21+$0x0] =	vst.idx.msk vm1, v28;
	v63 =	vld.idx.msk [tilespmem:v18+s18+$0x0], vm14  }
0x22c: {  	v57 =	vor.u32 v3, v25;
	[tilespmem:v51+s21+$0x0] =	vst.idx.msk vm6, v52;
	v58 =	vld.idx.msk [tilespmem:v24+s18+$0x0], vm9  }
0x22d: {  	v59 =	vor.u32 v4, v25;
	[tilespmem:v8+s21+$0x0] =	vst.idx.msk vm3, v31;
	v8 =	vld.idx.msk [tilespmem:v19+s18+$0x0], vm10  }
0x22e: {  	v60 =	vor.u32 v5, v25;
	v61 =	vld.idx.msk [tilespmem:v20+s18+$0x0], vm13;
	[tilespmem:v53+s21+$0x0] =	vst.idx.msk vm7, v54  }
.Ltmp12:
0x22f: {  	[tilespmem:v55+s21+$0x0] =	vst.idx.msk vm8, v56;
	(pc) =	sbr.rel @!p0 .LBB2_19-.Ltmp12, $4  }
0x230: {  	[tilespmem:v62+s21+$0x0] =	vst.idx.msk vm14, v63  }
0x231: {  	[tilespmem:v57+s21+$0x0] =	vst.idx.msk vm9, v58  }
0x232: {  	[tilespmem:v59+s21+$0x0] =	vst.idx.msk vm10, v8  }
0x233: {  	vm15 =	vmmov vm14;
	[tilespmem:v60+s21+$0x0] =	vst.idx.msk vm13, v61  }
0x234: {  	s28 =	sadd.s32 s26, s10  }
0x235: {  	s29 =	sshll.u32 s28, $0xE;
	s28 =	sshll.u32 s28, $0x7  }
0x236: {  	s29 =	sand.u32 $0x7FFE0000, s29;
	s28 =	sand.u32 $0x380, s28  }
0x237: {  	s28 =	sor.u32 s28, s29  }
0x238: {  	p0 =	sne.s32 s26, $0x18;
	s28 =	sshrl.u32 s28, $0x3  }
.Ltmp13:
0x239: {  	s28 =	sadd.s32 s6, s28;
	(pc) =	sbr.rel @p0 .LBB2_25-.Ltmp13, $4  }
.Ltmp14:
0x23a: {  	s29 =	simm.s32 $0x80;
	s28 =	sadd.s32 $0x3000, s28;
	(pc) =	sbr.rel @!p0 .LBB2_23-.Ltmp14, $4  }
0x23b: {  	[hbm4b:s28+s29] =	stream.strided.scatter [tilespmem:s21], [sflag:$0x4], $0x1000, s15, s29, $0x38;
	[tilespmem:$0x1E700] =	vst v63  }
0x23c: {  	s28 =	sadd.s32 $0x1, s26  }
0x23d: {  	s26 =	smov.u32 s28  }
0x23e: {  	_ = 	snop  }
.LBB2_19:
0x23f: {  	s28 =	sadd.s32 s8, s26;
	s29 =	sshll.u32 s26, $0x4;
	p0 =	seq.s32 s26, $0x17  }
.Ltmp15:
0x240: {  	s28 =	sshll.u32 s28, $0xB;
	s29 =	sand.u32 $0x70, s29;
	(pc) =	sbr.rel @p0 .LBB2_20-.Ltmp15, $4  }
0x241: {  	s28 =	sand.u32 $0xFFFC000, s28;
	s29 =	sadd.s32 s5, s29  }
0x242: {  	s28 =	sadd.s32 s28, s29  }
0x243: {  	s28 =	sadd.s32 $0x3000, s28  }
0x244: {  	[hbm4b:s28+s14] =	stream.strided.scatter [tilespmem:s21], [sflag:$0x4], $0x1000, s15, s14, $0x38;
	[tilespmem:$0x1E700] =	vst v63  }
0x245: {  	s28 =	sadd.s32 $0x1, s26  }
0x246: {  	s26 =	sadd.s32 s8, s28  }
0x247: {  	s26 =	sshrl.u32 s26, $0x3  }
0x248: {  	s29 =	sshll.u32 s28, $0x7;
	s26 =	smul.u32 $0xC3800, s26  }
.Ltmp16:
0x249: {  	s29 =	sand.u32 $0x380, s29;
	(pc) =	sbr.rel .LBB2_24-.Ltmp16, $4  }
0x24a: {  	s26 =	sor.u32 s29, s26  }
0x24b: {  	s26 =	sshrl.u32 s26, $0x3  }
0x24c: {  	s26 =	sadd.s32 s1, s26  }
0x24d: {  	[tilespmem:s16], [sflag:$0x1] =	stream.strided.gather [hbm4b:s26+s14], $0xC380, s15, s14, $0x38;
	[tilespmem:$0x1E700] =	vst v63  }
.LBB2_27:
0x24e: {  	_ =	sfence.sel $0x180000  }
0x24f: {  	[bflag:$0x0] =	sbarrier.arrive $0xFFFF  }
0x250: {  	p0 =	sne.s32 s0, $0x0;
	_ =	strace $0x90000047  }
0x251: {  	s0 =	sadd.s32 @!p0 $0x100000, s4;
	[bflag:$0x2] =	sbarrier.arrive $0xFFFF  }
0x252: {  	[sflag:s0] =	ssyncadd.tile.s32 @!p0 $0x1;
	_ =	shalt  }
.Lfunc_end2:
_tile_overlayer_lowered:
.L_overlay_start_2:
0x253: {  	(tag) =	ssettag $0x2  }
0x254: {  	s0 =	rddreg [dreg:$0x0];
	s2 =	stileid.u32  }
0x255: {  	s1 =	rddreg [dreg:$0x1];
	p0 =	sne.s32 s2, $0x0  }
0x256: {  	s3 =	rddreg [dreg:$0x2];
	[bflag:$0x3] =	sbarrier.arrive $0xFFFF;
	s2 =	simm.s32 @!p0 $0x1C05  }
0x257: {  	[timem:s3], [sflag:s2] =	dma.local @!p0 [hbm:s0], s1  }
0x258: {  	s0 =	simm.s32 @!p0 $0x5  }
0x259: {  	_ =	swait.ge @!p0 [sflag:s0], s1  }
0x25a: {  	s1 =	ssub.s32 @!p0 $0x0, s1;
	[sflag:s0] =	ssyncset.done @!p0 $0x0  }
0x25b: {  	[sflag:s0] =	ssyncadd.s32 @!p0 s1  }
0x25c: {  	[bflag:$0x3] =	sbarrier.arrive $0xFFFF  }
0x25d: {  	_ =	shalt  }

</sc_bundles>
